<compile_context>
chip_gen: v7x
topology: tpu7x:2x2x1
jax: 0.10.2.dev20260603
libtpu: 0.0.44.dev20260713+nightly
codegen_flags: <defaults>
</compile_context>

<pallas_src>
import functools

import jax
import jax.numpy as jnp
from jax import lax
from jax.experimental import pallas as pl
from jax.experimental.pallas import tpu as pltpu
from jax.experimental.pallas import tpu_sc as plsc

N_NODES = 10000
N_EDGES = 320000
D = 128

NC = 2
NS = 16
NW = NC * NS
BLK = 400
NBLK = 25
EPW = BLK * NBLK
E_PAD = NW * EPW
N_ROWS = 10240
RPT = N_ROWS // NS
CH = 128
DUMMY = N_NODES


def _sc_body(feat_hbm, src_hbm, dst_hbm, out_hbm, srcv, dstv,
             b0, b1, accum, g0, g1, s0, s1):
    buf = b0
    cid = lax.axis_index("c")
    sid = lax.axis_index("s")
    wid = cid * NS + sid

    zero32 = jnp.zeros((32,), jnp.bfloat16)

    def zrow(i, c):
        for j in range(D // 32):
            buf[i, pl.ds(32 * j, 32)] = zero32
        return c

    lax.fori_loop(0, CH, zrow, 0)
    for t in range(RPT // CH):
        pltpu.sync_copy(buf.at[pl.ds(0, CH)],
                        accum.at[pl.ds(sid * RPT + t * CH, CH)])

    pltpu.sync_copy(src_hbm.at[pl.ds(wid * EPW, EPW)], srcv)
    pltpu.sync_copy(dst_hbm.at[pl.ds(wid * EPW, EPW)], dstv)
    plsc.subcore_barrier()

    bufs = (b0, b1)
    gsem = (g0, g1)
    ssem = (s0, s1)

    def body(g, c):
        jj = g * 2 * BLK
        cps = [pltpu.async_copy(feat_hbm.at[srcv.at[pl.ds(jj + i * BLK, BLK)]],
                                bufs[i], gsem[i])
               for i in range(2)]
        scs = []
        for i in range(2):
            cps[i].wait()
            scs.append(pltpu.async_copy(bufs[i],
                                        accum.at[dstv.at[pl.ds(jj + i * BLK, BLK)]],
                                        ssem[i], add=True))
        for s_ in scs:
            s_.wait()
        return c

    lax.fori_loop(0, NBLK // 2, body, 0)

    jl = (NBLK - 1) * BLK
    pltpu.async_copy(feat_hbm.at[srcv.at[pl.ds(jl, BLK)]], b0, g0).wait()
    pltpu.async_copy(b0, accum.at[dstv.at[pl.ds(jl, BLK)]], s0, add=True).wait()
    plsc.subcore_barrier()

    for t in range(RPT // CH):
        r = sid * RPT + t * CH
        pltpu.sync_copy(accum.at[pl.ds(r, CH)], out_hbm.at[cid, pl.ds(r, CH)])


_sc_gcn = functools.partial(
    pl.kernel,
    mesh=plsc.VectorSubcoreMesh(core_axis_name="c", subcore_axis_name="s"),
    compiler_params=pltpu.CompilerParams(use_tc_tiling_on_sc=False),
    out_type=jax.ShapeDtypeStruct((NC, N_ROWS, D), jnp.bfloat16),
    scratch_types=[
        pltpu.VMEM((EPW,), jnp.int32),
        pltpu.VMEM((EPW,), jnp.int32),
        pltpu.VMEM((BLK, D), jnp.bfloat16),
        pltpu.VMEM((BLK, D), jnp.bfloat16),
        pltpu.VMEM_SHARED((N_ROWS, D), jnp.bfloat16),
        pltpu.SemaphoreType.DMA,
        pltpu.SemaphoreType.DMA,
        pltpu.SemaphoreType.DMA,
        pltpu.SemaphoreType.DMA,
    ],
)(_sc_body)


def _tc_body(p_ref, w_ref, b_ref, o_ref):
    x = (p_ref[0].astype(jnp.float32) + p_ref[1].astype(jnp.float32))
    o_ref[...] = (
        lax.dot_general(x, w_ref[...], (((1,), (1,)), ((), ())),
                        preferred_element_type=jnp.float32)
        + b_ref[...]
    )


def _tc_linear(partials, W, b2):
    blk = 2000
    return pl.pallas_call(
        _tc_body,
        grid=(N_NODES // blk,),
        in_specs=[
            pl.BlockSpec((NC, blk, D), lambda i: (0, i, 0)),
            pl.BlockSpec((D, D), lambda i: (0, 0)),
            pl.BlockSpec((1, D), lambda i: (0, 0)),
        ],
        out_specs=pl.BlockSpec((blk, D), lambda i: (i, 0)),
        out_shape=jax.ShapeDtypeStruct((N_NODES, D), jnp.float32),
    )(partials, W, b2)


def kernel(feature, edge_index, W, b):
    ei = edge_index.astype(jnp.int32)
    fb = feature.astype(jnp.bfloat16)
    partials = _sc_gcn(fb, ei[0], ei[1])
    return _tc_linear(partials, W, b.reshape(1, D))

# --- scband reference (transcript-rebuilt; emitter-appended) ---
"""Pipeline reference for scband-gcnlayer-33569464386075 (READ-ONLY COPY).

The authoritative reference and input builder live on the scoring server;
editing this copy changes nothing except your own understanding.
"""

import jax, jax.numpy as jnp
import numpy as np

N_NODES = 10000
N_EDGES = 320000
D_IN = 128
D_OUT = 128

def setup_inputs(seed: int = 0) -> dict:
    key = jax.random.key(seed)
    k1, k2, k3, k4 = jax.random.split(key, 4)
    feature = jax.random.normal(k1, (N_NODES, D_IN), dtype=jnp.float32)
    edge_index = jax.random.randint(k2, (2, N_EDGES), 0, N_NODES, dtype=jnp.int64)
    # nn.Linear(in_feats, out_feats): weight [out, in], bias [out]
    bound = 1.0 / np.sqrt(D_IN)
    W = jax.random.uniform(k3, (D_OUT, D_IN), dtype=jnp.float32, minval=-bound, maxval=bound)
    b = jax.random.uniform(k4, (D_OUT,), dtype=jnp.float32, minval=-bound, maxval=bound)
    return {"feature": feature, "edge_index": edge_index, "W": W, "b": b}

def reference(feature, edge_index, W, b):
    # DGL update_all(copy_u('h','m'), sum('m','h')):
    # for each edge (src, dst): m = h[src]; h_new[dst] = sum of messages
    src = edge_index[0]
    dst = edge_index[1]
    msgs = jnp.take(feature, src, axis=0)  # gather source features
    h = jax.ops.segment_sum(msgs, dst, num_segments=N_NODES)  # scatter-add by dst
    # Linear layer
    res = h @ W.T + b
    return res

if __name__ == "__main__":
    import jax
    _d = setup_inputs()
    print(jax.jit(kernel)(*tuple(_d.values())))

</pallas_src>

<mosaic_0001>
#map = affine_map<(d0, d1) -> (0, 0)>
#map1 = affine_map<(d0, d1) -> (0)>
#map2 = affine_map<(d0, d1) -> (0, 0, 0)>
module attributes {stable_mosaic.version = 14 : i64} {
  func.func @_sc_body(%arg0: i32, %arg1: i32, %arg2: memref<10000x128xbf16, #tpu.memory_space<hbm>>, %arg3: memref<320000xi32, #tpu.memory_space<hbm>>, %arg4: memref<320000xi32, #tpu.memory_space<hbm>>, %arg5: memref<2x10240x128xbf16, #tpu.memory_space<hbm>>, %arg6: memref<10000xi32, #tpu.memory_space<vmem>>, %arg7: memref<10000xi32, #tpu.memory_space<vmem>>, %arg8: memref<400x128xbf16, #tpu.memory_space<vmem>>, %arg9: memref<400x128xbf16, #tpu.memory_space<vmem>>, %arg10: memref<10240x128xbf16, #tpu.memory_space<vmem_shared>>, %arg11: memref<!tpu.dma_semaphore, #tpu.memory_space<semaphore_mem>>, %arg12: memref<!tpu.dma_semaphore, #tpu.memory_space<semaphore_mem>>, %arg13: memref<!tpu.dma_semaphore, #tpu.memory_space<semaphore_mem>>, %arg14: memref<!tpu.dma_semaphore, #tpu.memory_space<semaphore_mem>>) attributes {dimension_semantics = [#tpu.dimension_semantics<core_parallel>, #tpu.dimension_semantics<subcore_parallel>], iteration_bounds = array<i64: 2, 16>, scalar_prefetch = 0 : i64, scratch_operands = 9 : i64, tpu.core_type = #tpu.core_type<sc_vector_subcore>, window_params = [{transform_indices = #map}, {transform_indices = #map1}, {transform_indices = #map1}, {transform_indices = #map2}]} {
    %mul3A = arith.constant 16 : i32
    %mul3A_0 = arith.muli %arg0, %mul3A : i32
    %add3A = arith.addi %mul3A_0, %arg1 : i32
    %broadcast_in_dim3A = arith.constant 0.000000e+00 : bf16
    %broadcast_in_dim3A_1 = vector.broadcast %broadcast_in_dim3A : bf16 to vector<32xbf16>
    %scan3A = arith.constant 0 : i32
    %scan3A_2 = arith.constant 0 : i32
    %scan3A_3 = arith.constant 128 : i32
    %scan3A_4 = arith.addi %scan3A_2, %scan3A_3 : i32
    %scan3A_5 = arith.constant 1 : i32
    scf.for %scan3A_76 = %scan3A_2 to %scan3A_4 step %scan3A_5  : i32 {
      %swap3A = arith.index_cast %scan3A_76 : i32 to index
      %swap3A_77 = arith.constant 0 : index
      %swap3A_78 = tpu.vector_load %arg8[%swap3A, %swap3A_77] {strides = array<i32>} : memref<400x128xbf16, #tpu.memory_space<vmem>>, vector<1x32xbf16>,
      %swap3A_79 = vector.shape_cast %swap3A_78 : vector<1x32xbf16> to vector<32xbf16>
      %swap3A_80 = vector.shape_cast %broadcast_in_dim3A_1 : vector<32xbf16> to vector<1x32xbf16>
      tpu.vector_store %arg8[%swap3A, %swap3A_77], %swap3A_80 {strides = array<i32>} : memref<400x128xbf16, #tpu.memory_space<vmem>>, vector<1x32xbf16>,
      %swap3A_81 = arith.index_cast %scan3A_76 : i32 to index
      %swap3A_82 = arith.constant 32 : index
      %swap3A_83 = tpu.vector_load %arg8[%swap3A_81, %swap3A_82] {strides = array<i32>} : memref<400x128xbf16, #tpu.memory_space<vmem>>, vector<1x32xbf16>,
      %swap3A_84 = vector.shape_cast %swap3A_83 : vector<1x32xbf16> to vector<32xbf16>
      %swap3A_85 = vector.shape_cast %broadcast_in_dim3A_1 : vector<32xbf16> to vector<1x32xbf16>
      tpu.vector_store %arg8[%swap3A_81, %swap3A_82], %swap3A_85 {strides = array<i32>} : memref<400x128xbf16, #tpu.memory_space<vmem>>, vector<1x32xbf16>,
      %swap3A_86 = arith.index_cast %scan3A_76 : i32 to index
      %swap3A_87 = arith.constant 64 : index
      %swap3A_88 = tpu.vector_load %arg8[%swap3A_86, %swap3A_87] {strides = array<i32>} : memref<400x128xbf16, #tpu.memory_space<vmem>>, vector<1x32xbf16>,
      %swap3A_89 = vector.shape_cast %swap3A_88 : vector<1x32xbf16> to vector<32xbf16>
      %swap3A_90 = vector.shape_cast %broadcast_in_dim3A_1 : vector<32xbf16> to vector<1x32xbf16>
      tpu.vector_store %arg8[%swap3A_86, %swap3A_87], %swap3A_90 {strides = array<i32>} : memref<400x128xbf16, #tpu.memory_space<vmem>>, vector<1x32xbf16>,
      %swap3A_91 = arith.index_cast %scan3A_76 : i32 to index
      %swap3A_92 = arith.constant 96 : index
      %swap3A_93 = tpu.vector_load %arg8[%swap3A_91, %swap3A_92] {strides = array<i32>} : memref<400x128xbf16, #tpu.memory_space<vmem>>, vector<1x32xbf16>,
      %swap3A_94 = vector.shape_cast %swap3A_93 : vector<1x32xbf16> to vector<32xbf16>
      %swap3A_95 = vector.shape_cast %broadcast_in_dim3A_1 : vector<32xbf16> to vector<1x32xbf16>
      tpu.vector_store %arg8[%swap3A_91, %swap3A_92], %swap3A_95 {strides = array<i32>} : memref<400x128xbf16, #tpu.memory_space<vmem>>, vector<1x32xbf16>,
    }
    %scan3A_6 = arith.constant 128 : i32
    %mul3A_7 = arith.constant 640 : i32
    %mul3A_8 = arith.muli %arg1, %mul3A_7 : i32
    %add3A_9 = arith.constant 0 : i32
    %add3A_10 = arith.addi %mul3A_8, %add3A_9 : i32
    "tpu.region"() ({
      %run_scoped3A = tpu.sem_alloc : memref<!tpu.dma_semaphore, #tpu.memory_space<semaphore_mem>>
      %dma_start3A_76 = arith.constant 0 : i32
      %dma_start3A_77 = arith.constant 0 : i32
      %dma_start3A_78 = tpu.memref_slice %arg8[%dma_start3A_76, %dma_start3A_77] : memref<400x128xbf16, #tpu.memory_space<vmem>> -> memref<128x128xbf16, #tpu.memory_space<vmem>>
      %dma_start3A_79 = arith.constant 0 : i32
      %dma_start3A_80 = tpu.memref_slice %arg10[%add3A_10, %dma_start3A_79] : memref<10240x128xbf16, #tpu.memory_space<vmem_shared>> -> memref<128x128xbf16, #tpu.memory_space<vmem_shared>>
      %dma_start3A_81 = arith.constant 0 : i32
      %dma_start3A_82 = tpu.memref_slice %arg10[%add3A_10, %dma_start3A_81] : memref<10240x128xbf16, #tpu.memory_space<vmem_shared>> -> memref<128x128xbf16, #tpu.memory_space<vmem_shared>>
      %dma_start3A_83 = arith.constant 0 : i32
      %dma_start3A_84 = arith.constant 0 : i32
      %dma_start3A_85 = tpu.memref_slice %arg8[%dma_start3A_83, %dma_start3A_84] : memref<400x128xbf16, #tpu.memory_space<vmem>> -> memref<128x128xbf16, #tpu.memory_space<vmem>>
      tpu.enqueue_dma source(%dma_start3A_85 : memref<128x128xbf16, #tpu.memory_space<vmem>>) target(%dma_start3A_82 : memref<128x128xbf16, #tpu.memory_space<vmem_shared>>) target_semaphore(%run_scoped3A : memref<!tpu.dma_semaphore, #tpu.memory_space<semaphore_mem>>)
      %dma_wait3A_86 = arith.constant 0 : i32
      %dma_wait3A_87 = arith.constant 0 : i32
      %dma_wait3A_88 = tpu.memref_slice %arg8[%dma_wait3A_86, %dma_wait3A_87] : memref<400x128xbf16, #tpu.memory_space<vmem>> -> memref<128x128xbf16, #tpu.memory_space<vmem>>
      %dma_wait3A_89 = arith.constant 0 : i32
      %dma_wait3A_90 = tpu.memref_slice %arg10[%add3A_10, %dma_wait3A_89] : memref<10240x128xbf16, #tpu.memory_space<vmem_shared>> -> memref<128x128xbf16, #tpu.memory_space<vmem_shared>>
      %dma_wait3A_91 = arith.constant 0 : i32
      %dma_wait3A_92 = tpu.memref_slice %arg10[%add3A_10, %dma_wait3A_91] : memref<10240x128xbf16, #tpu.memory_space<vmem_shared>> -> memref<128x128xbf16, #tpu.memory_space<vmem_shared>>
      %dma_wait3A_93 = arith.constant 0 : i32
      %dma_wait3A_94 = arith.constant 0 : i32
      %dma_wait3A_95 = tpu.memref_slice %arg8[%dma_wait3A_93, %dma_wait3A_94] : memref<400x128xbf16, #tpu.memory_space<vmem>> -> memref<128x128xbf16, #tpu.memory_space<vmem>>
      tpu.wait_dma2 semaphore(%run_scoped3A : memref<!tpu.dma_semaphore, #tpu.memory_space<semaphore_mem>>) src(%dma_wait3A_95 : memref<128x128xbf16, #tpu.memory_space<vmem>>) dst(%dma_wait3A_92 : memref<128x128xbf16, #tpu.memory_space<vmem_shared>>)
      tpu.yield
    }) : () -> ()
    %mul3A_11 = arith.constant 640 : i32
    %mul3A_12 = arith.muli %arg1, %mul3A_11 : i32
    %add3A_13 = arith.constant 128 : i32
    %add3A_14 = arith.addi %mul3A_12, %add3A_13 : i32
    "tpu.region"() ({
      %run_scoped3A = tpu.sem_alloc : memref<!tpu.dma_semaphore, #tpu.memory_space<semaphore_mem>>
      %dma_start3A_76 = arith.constant 0 : i32
      %dma_start3A_77 = arith.constant 0 : i32
      %dma_start3A_78 = tpu.memref_slice %arg8[%dma_start3A_76, %dma_start3A_77] : memref<400x128xbf16, #tpu.memory_space<vmem>> -> memref<128x128xbf16, #tpu.memory_space<vmem>>
      %dma_start3A_79 = arith.constant 0 : i32
      %dma_start3A_80 = tpu.memref_slice %arg10[%add3A_14, %dma_start3A_79] : memref<10240x128xbf16, #tpu.memory_space<vmem_shared>> -> memref<128x128xbf16, #tpu.memory_space<vmem_shared>>
      %dma_start3A_81 = arith.constant 0 : i32
      %dma_start3A_82 = tpu.memref_slice %arg10[%add3A_14, %dma_start3A_81] : memref<10240x128xbf16, #tpu.memory_space<vmem_shared>> -> memref<128x128xbf16, #tpu.memory_space<vmem_shared>>
      %dma_start3A_83 = arith.constant 0 : i32
      %dma_start3A_84 = arith.constant 0 : i32
      %dma_start3A_85 = tpu.memref_slice %arg8[%dma_start3A_83, %dma_start3A_84] : memref<400x128xbf16, #tpu.memory_space<vmem>> -> memref<128x128xbf16, #tpu.memory_space<vmem>>
      tpu.enqueue_dma source(%dma_start3A_85 : memref<128x128xbf16, #tpu.memory_space<vmem>>) target(%dma_start3A_82 : memref<128x128xbf16, #tpu.memory_space<vmem_shared>>) target_semaphore(%run_scoped3A : memref<!tpu.dma_semaphore, #tpu.memory_space<semaphore_mem>>)
      %dma_wait3A_86 = arith.constant 0 : i32
      %dma_wait3A_87 = arith.constant 0 : i32
      %dma_wait3A_88 = tpu.memref_slice %arg8[%dma_wait3A_86, %dma_wait3A_87] : memref<400x128xbf16, #tpu.memory_space<vmem>> -> memref<128x128xbf16, #tpu.memory_space<vmem>>
      %dma_wait3A_89 = arith.constant 0 : i32
      %dma_wait3A_90 = tpu.memref_slice %arg10[%add3A_14, %dma_wait3A_89] : memref<10240x128xbf16, #tpu.memory_space<vmem_shared>> -> memref<128x128xbf16, #tpu.memory_space<vmem_shared>>
      %dma_wait3A_91 = arith.constant 0 : i32
      %dma_wait3A_92 = tpu.memref_slice %arg10[%add3A_14, %dma_wait3A_91] : memref<10240x128xbf16, #tpu.memory_space<vmem_shared>> -> memref<128x128xbf16, #tpu.memory_space<vmem_shared>>
      %dma_wait3A_93 = arith.constant 0 : i32
      %dma_wait3A_94 = arith.constant 0 : i32
      %dma_wait3A_95 = tpu.memref_slice %arg8[%dma_wait3A_93, %dma_wait3A_94] : memref<400x128xbf16, #tpu.memory_space<vmem>> -> memref<128x128xbf16, #tpu.memory_space<vmem>>
      tpu.wait_dma2 semaphore(%run_scoped3A : memref<!tpu.dma_semaphore, #tpu.memory_space<semaphore_mem>>) src(%dma_wait3A_95 : memref<128x128xbf16, #tpu.memory_space<vmem>>) dst(%dma_wait3A_92 : memref<128x128xbf16, #tpu.memory_space<vmem_shared>>)
      tpu.yield
    }) : () -> ()
    %mul3A_15 = arith.constant 640 : i32
    %mul3A_16 = arith.muli %arg1, %mul3A_15 : i32
    %add3A_17 = arith.constant 256 : i32
    %add3A_18 = arith.addi %mul3A_16, %add3A_17 : i32
    "tpu.region"() ({
      %run_scoped3A = tpu.sem_alloc : memref<!tpu.dma_semaphore, #tpu.memory_space<semaphore_mem>>
      %dma_start3A_76 = arith.constant 0 : i32
      %dma_start3A_77 = arith.constant 0 : i32
      %dma_start3A_78 = tpu.memref_slice %arg8[%dma_start3A_76, %dma_start3A_77] : memref<400x128xbf16, #tpu.memory_space<vmem>> -> memref<128x128xbf16, #tpu.memory_space<vmem>>
      %dma_start3A_79 = arith.constant 0 : i32
      %dma_start3A_80 = tpu.memref_slice %arg10[%add3A_18, %dma_start3A_79] : memref<10240x128xbf16, #tpu.memory_space<vmem_shared>> -> memref<128x128xbf16, #tpu.memory_space<vmem_shared>>
      %dma_start3A_81 = arith.constant 0 : i32
      %dma_start3A_82 = tpu.memref_slice %arg10[%add3A_18, %dma_start3A_81] : memref<10240x128xbf16, #tpu.memory_space<vmem_shared>> -> memref<128x128xbf16, #tpu.memory_space<vmem_shared>>
      %dma_start3A_83 = arith.constant 0 : i32
      %dma_start3A_84 = arith.constant 0 : i32
      %dma_start3A_85 = tpu.memref_slice %arg8[%dma_start3A_83, %dma_start3A_84] : memref<400x128xbf16, #tpu.memory_space<vmem>> -> memref<128x128xbf16, #tpu.memory_space<vmem>>
      tpu.enqueue_dma source(%dma_start3A_85 : memref<128x128xbf16, #tpu.memory_space<vmem>>) target(%dma_start3A_82 : memref<128x128xbf16, #tpu.memory_space<vmem_shared>>) target_semaphore(%run_scoped3A : memref<!tpu.dma_semaphore, #tpu.memory_space<semaphore_mem>>)
      %dma_wait3A_86 = arith.constant 0 : i32
      %dma_wait3A_87 = arith.constant 0 : i32
      %dma_wait3A_88 = tpu.memref_slice %arg8[%dma_wait3A_86, %dma_wait3A_87] : memref<400x128xbf16, #tpu.memory_space<vmem>> -> memref<128x128xbf16, #tpu.memory_space<vmem>>
      %dma_wait3A_89 = arith.constant 0 : i32
      %dma_wait3A_90 = tpu.memref_slice %arg10[%add3A_18, %dma_wait3A_89] : memref<10240x128xbf16, #tpu.memory_space<vmem_shared>> -> memref<128x128xbf16, #tpu.memory_space<vmem_shared>>
      %dma_wait3A_91 = arith.constant 0 : i32
      %dma_wait3A_92 = tpu.memref_slice %arg10[%add3A_18, %dma_wait3A_91] : memref<10240x128xbf16, #tpu.memory_space<vmem_shared>> -> memref<128x128xbf16, #tpu.memory_space<vmem_shared>>
      %dma_wait3A_93 = arith.constant 0 : i32
      %dma_wait3A_94 = arith.constant 0 : i32
      %dma_wait3A_95 = tpu.memref_slice %arg8[%dma_wait3A_93, %dma_wait3A_94] : memref<400x128xbf16, #tpu.memory_space<vmem>> -> memref<128x128xbf16, #tpu.memory_space<vmem>>
      tpu.wait_dma2 semaphore(%run_scoped3A : memref<!tpu.dma_semaphore, #tpu.memory_space<semaphore_mem>>) src(%dma_wait3A_95 : memref<128x128xbf16, #tpu.memory_space<vmem>>) dst(%dma_wait3A_92 : memref<128x128xbf16, #tpu.memory_space<vmem_shared>>)
      tpu.yield
    }) : () -> ()
    %mul3A_19 = arith.constant 640 : i32
    %mul3A_20 = arith.muli %arg1, %mul3A_19 : i32
    %add3A_21 = arith.constant 384 : i32
    %add3A_22 = arith.addi %mul3A_20, %add3A_21 : i32
    "tpu.region"() ({
      %run_scoped3A = tpu.sem_alloc : memref<!tpu.dma_semaphore, #tpu.memory_space<semaphore_mem>>
      %dma_start3A_76 = arith.constant 0 : i32
      %dma_start3A_77 = arith.constant 0 : i32
      %dma_start3A_78 = tpu.memref_slice %arg8[%dma_start3A_76, %dma_start3A_77] : memref<400x128xbf16, #tpu.memory_space<vmem>> -> memref<128x128xbf16, #tpu.memory_space<vmem>>
      %dma_start3A_79 = arith.constant 0 : i32
      %dma_start3A_80 = tpu.memref_slice %arg10[%add3A_22, %dma_start3A_79] : memref<10240x128xbf16, #tpu.memory_space<vmem_shared>> -> memref<128x128xbf16, #tpu.memory_space<vmem_shared>>
      %dma_start3A_81 = arith.constant 0 : i32
      %dma_start3A_82 = tpu.memref_slice %arg10[%add3A_22, %dma_start3A_81] : memref<10240x128xbf16, #tpu.memory_space<vmem_shared>> -> memref<128x128xbf16, #tpu.memory_space<vmem_shared>>
      %dma_start3A_83 = arith.constant 0 : i32
      %dma_start3A_84 = arith.constant 0 : i32
      %dma_start3A_85 = tpu.memref_slice %arg8[%dma_start3A_83, %dma_start3A_84] : memref<400x128xbf16, #tpu.memory_space<vmem>> -> memref<128x128xbf16, #tpu.memory_space<vmem>>
      tpu.enqueue_dma source(%dma_start3A_85 : memref<128x128xbf16, #tpu.memory_space<vmem>>) target(%dma_start3A_82 : memref<128x128xbf16, #tpu.memory_space<vmem_shared>>) target_semaphore(%run_scoped3A : memref<!tpu.dma_semaphore, #tpu.memory_space<semaphore_mem>>)
      %dma_wait3A_86 = arith.constant 0 : i32
      %dma_wait3A_87 = arith.constant 0 : i32
      %dma_wait3A_88 = tpu.memref_slice %arg8[%dma_wait3A_86, %dma_wait3A_87] : memref<400x128xbf16, #tpu.memory_space<vmem>> -> memref<128x128xbf16, #tpu.memory_space<vmem>>
      %dma_wait3A_89 = arith.constant 0 : i32
      %dma_wait3A_90 = tpu.memref_slice %arg10[%add3A_22, %dma_wait3A_89] : memref<10240x128xbf16, #tpu.memory_space<vmem_shared>> -> memref<128x128xbf16, #tpu.memory_space<vmem_shared>>
      %dma_wait3A_91 = arith.constant 0 : i32
      %dma_wait3A_92 = tpu.memref_slice %arg10[%add3A_22, %dma_wait3A_91] : memref<10240x128xbf16, #tpu.memory_space<vmem_shared>> -> memref<128x128xbf16, #tpu.memory_space<vmem_shared>>
      %dma_wait3A_93 = arith.constant 0 : i32
      %dma_wait3A_94 = arith.constant 0 : i32
      %dma_wait3A_95 = tpu.memref_slice %arg8[%dma_wait3A_93, %dma_wait3A_94] : memref<400x128xbf16, #tpu.memory_space<vmem>> -> memref<128x128xbf16, #tpu.memory_space<vmem>>
      tpu.wait_dma2 semaphore(%run_scoped3A : memref<!tpu.dma_semaphore, #tpu.memory_space<semaphore_mem>>) src(%dma_wait3A_95 : memref<128x128xbf16, #tpu.memory_space<vmem>>) dst(%dma_wait3A_92 : memref<128x128xbf16, #tpu.memory_space<vmem_shared>>)
      tpu.yield
    }) : () -> ()
    %mul3A_23 = arith.constant 640 : i32
    %mul3A_24 = arith.muli %arg1, %mul3A_23 : i32
    %add3A_25 = arith.constant 512 : i32
    %add3A_26 = arith.addi %mul3A_24, %add3A_25 : i32
    "tpu.region"() ({
      %run_scoped3A = tpu.sem_alloc : memref<!tpu.dma_semaphore, #tpu.memory_space<semaphore_mem>>
      %dma_start3A_76 = arith.constant 0 : i32
      %dma_start3A_77 = arith.constant 0 : i32
      %dma_start3A_78 = tpu.memref_slice %arg8[%dma_start3A_76, %dma_start3A_77] : memref<400x128xbf16, #tpu.memory_space<vmem>> -> memref<128x128xbf16, #tpu.memory_space<vmem>>
      %dma_start3A_79 = arith.constant 0 : i32
      %dma_start3A_80 = tpu.memref_slice %arg10[%add3A_26, %dma_start3A_79] : memref<10240x128xbf16, #tpu.memory_space<vmem_shared>> -> memref<128x128xbf16, #tpu.memory_space<vmem_shared>>
      %dma_start3A_81 = arith.constant 0 : i32
      %dma_start3A_82 = tpu.memref_slice %arg10[%add3A_26, %dma_start3A_81] : memref<10240x128xbf16, #tpu.memory_space<vmem_shared>> -> memref<128x128xbf16, #tpu.memory_space<vmem_shared>>
      %dma_start3A_83 = arith.constant 0 : i32
      %dma_start3A_84 = arith.constant 0 : i32
      %dma_start3A_85 = tpu.memref_slice %arg8[%dma_start3A_83, %dma_start3A_84] : memref<400x128xbf16, #tpu.memory_space<vmem>> -> memref<128x128xbf16, #tpu.memory_space<vmem>>
      tpu.enqueue_dma source(%dma_start3A_85 : memref<128x128xbf16, #tpu.memory_space<vmem>>) target(%dma_start3A_82 : memref<128x128xbf16, #tpu.memory_space<vmem_shared>>) target_semaphore(%run_scoped3A : memref<!tpu.dma_semaphore, #tpu.memory_space<semaphore_mem>>)
      %dma_wait3A_86 = arith.constant 0 : i32
      %dma_wait3A_87 = arith.constant 0 : i32
      %dma_wait3A_88 = tpu.memref_slice %arg8[%dma_wait3A_86, %dma_wait3A_87] : memref<400x128xbf16, #tpu.memory_space<vmem>> -> memref<128x128xbf16, #tpu.memory_space<vmem>>
      %dma_wait3A_89 = arith.constant 0 : i32
      %dma_wait3A_90 = tpu.memref_slice %arg10[%add3A_26, %dma_wait3A_89] : memref<10240x128xbf16, #tpu.memory_space<vmem_shared>> -> memref<128x128xbf16, #tpu.memory_space<vmem_shared>>
      %dma_wait3A_91 = arith.constant 0 : i32
      %dma_wait3A_92 = tpu.memref_slice %arg10[%add3A_26, %dma_wait3A_91] : memref<10240x128xbf16, #tpu.memory_space<vmem_shared>> -> memref<128x128xbf16, #tpu.memory_space<vmem_shared>>
      %dma_wait3A_93 = arith.constant 0 : i32
      %dma_wait3A_94 = arith.constant 0 : i32
      %dma_wait3A_95 = tpu.memref_slice %arg8[%dma_wait3A_93, %dma_wait3A_94] : memref<400x128xbf16, #tpu.memory_space<vmem>> -> memref<128x128xbf16, #tpu.memory_space<vmem>>
      tpu.wait_dma2 semaphore(%run_scoped3A : memref<!tpu.dma_semaphore, #tpu.memory_space<semaphore_mem>>) src(%dma_wait3A_95 : memref<128x128xbf16, #tpu.memory_space<vmem>>) dst(%dma_wait3A_92 : memref<128x128xbf16, #tpu.memory_space<vmem_shared>>)
      tpu.yield
    }) : () -> ()
    %mul3A_27 = arith.constant 10000 : i32
    %mul3A_28 = arith.muli %add3A, %mul3A_27 : i32
    "tpu.region"() ({
      %run_scoped3A = tpu.sem_alloc : memref<!tpu.dma_semaphore, #tpu.memory_space<semaphore_mem>>
      %dma_start3A_76 = tpu.memref_slice %arg3[%mul3A_28] : memref<320000xi32, #tpu.memory_space<hbm>> -> memref<10000xi32, #tpu.memory_space<hbm>>
      %dma_start3A_77 = tpu.memref_slice %arg3[%mul3A_28] : memref<320000xi32, #tpu.memory_space<hbm>> -> memref<10000xi32, #tpu.memory_space<hbm>>
      tpu.enqueue_dma source(%dma_start3A_77 : memref<10000xi32, #tpu.memory_space<hbm>>) target(%arg6 : memref<10000xi32, #tpu.memory_space<vmem>>) target_semaphore(%run_scoped3A : memref<!tpu.dma_semaphore, #tpu.memory_space<semaphore_mem>>)
      %dma_wait3A_78 = tpu.memref_slice %arg3[%mul3A_28] : memref<320000xi32, #tpu.memory_space<hbm>> -> memref<10000xi32, #tpu.memory_space<hbm>>
      %dma_wait3A_79 = tpu.memref_slice %arg3[%mul3A_28] : memref<320000xi32, #tpu.memory_space<hbm>> -> memref<10000xi32, #tpu.memory_space<hbm>>
      tpu.wait_dma2 semaphore(%run_scoped3A : memref<!tpu.dma_semaphore, #tpu.memory_space<semaphore_mem>>) src(%dma_wait3A_79 : memref<10000xi32, #tpu.memory_space<hbm>>) dst(%arg6 : memref<10000xi32, #tpu.memory_space<vmem>>)
      tpu.yield
    }) : () -> ()
    %mul3A_29 = arith.constant 10000 : i32
    %mul3A_30 = arith.muli %add3A, %mul3A_29 : i32
    "tpu.region"() ({
      %run_scoped3A = tpu.sem_alloc : memref<!tpu.dma_semaphore, #tpu.memory_space<semaphore_mem>>
      %dma_start3A_76 = tpu.memref_slice %arg4[%mul3A_30] : memref<320000xi32, #tpu.memory_space<hbm>> -> memref<10000xi32, #tpu.memory_space<hbm>>
      %dma_start3A_77 = tpu.memref_slice %arg4[%mul3A_30] : memref<320000xi32, #tpu.memory_space<hbm>> -> memref<10000xi32, #tpu.memory_space<hbm>>
      tpu.enqueue_dma source(%dma_start3A_77 : memref<10000xi32, #tpu.memory_space<hbm>>) target(%arg7 : memref<10000xi32, #tpu.memory_space<vmem>>) target_semaphore(%run_scoped3A : memref<!tpu.dma_semaphore, #tpu.memory_space<semaphore_mem>>)
      %dma_wait3A_78 = tpu.memref_slice %arg4[%mul3A_30] : memref<320000xi32, #tpu.memory_space<hbm>> -> memref<10000xi32, #tpu.memory_space<hbm>>
      %dma_wait3A_79 = tpu.memref_slice %arg4[%mul3A_30] : memref<320000xi32, #tpu.memory_space<hbm>> -> memref<10000xi32, #tpu.memory_space<hbm>>
      tpu.wait_dma2 semaphore(%run_scoped3A : memref<!tpu.dma_semaphore, #tpu.memory_space<semaphore_mem>>) src(%dma_wait3A_79 : memref<10000xi32, #tpu.memory_space<hbm>>) dst(%arg7 : memref<10000xi32, #tpu.memory_space<vmem>>)
      tpu.yield
    }) : () -> ()
    %barrier3A = arith.constant 0 : index
    tpu.barrier barrier_id(%barrier3A)
    %scan3A_31 = arith.constant 0 : i32
    %scan3A_32 = arith.constant 0 : i32
    %scan3A_33 = arith.constant 12 : i32
    %scan3A_34 = arith.addi %scan3A_32, %scan3A_33 : i32
    %scan3A_35 = arith.constant 1 : i32
    scf.for %scan3A_76 = %scan3A_32 to %scan3A_34 step %scan3A_35  : i32 {
      %mul3A_77 = arith.constant 2 : i32
      %mul3A_78 = arith.muli %scan3A_76, %mul3A_77 : i32
      %mul3A_79 = arith.constant 400 : i32
      %mul3A_80 = arith.muli %mul3A_78, %mul3A_79 : i32
      %add3A_81 = arith.constant 0 : i32
      %add3A_82 = arith.addi %mul3A_80, %add3A_81 : i32
      %dma_start3A_83 = tpu.memref_slice %arg6[%add3A_82] : memref<10000xi32, #tpu.memory_space<vmem>> -> memref<400xi32, #tpu.memory_space<vmem>>
      %dma_start3A_84 = arith.constant 0 : i32
      %dma_start3A_85 = arith.constant 0 : i32
      %dma_start3A_86 = tpu.memref_slice %arg2[%dma_start3A_84, %dma_start3A_85] : memref<10000x128xbf16, #tpu.memory_space<hbm>> -> memref<10000x128xbf16, #tpu.memory_space<hbm>>
      tpu.enqueue_indirect_dma source(%dma_start3A_86 : memref<10000x128xbf16, #tpu.memory_space<hbm>>) target(%arg8 : memref<400x128xbf16, #tpu.memory_space<vmem>>) offsets(%dma_start3A_83 : memref<400xi32, #tpu.memory_space<vmem>>) semaphore(%arg11 : memref<!tpu.dma_semaphore, #tpu.memory_space<semaphore_mem>>)
      %add3A_87 = arith.constant 400 : i32
      %add3A_88 = arith.addi %mul3A_80, %add3A_87 : i32
      %dma_start3A_89 = tpu.memref_slice %arg6[%add3A_88] : memref<10000xi32, #tpu.memory_space<vmem>> -> memref<400xi32, #tpu.memory_space<vmem>>
      %dma_start3A_90 = arith.constant 0 : i32
      %dma_start3A_91 = arith.constant 0 : i32
      %dma_start3A_92 = tpu.memref_slice %arg2[%dma_start3A_90, %dma_start3A_91] : memref<10000x128xbf16, #tpu.memory_space<hbm>> -> memref<10000x128xbf16, #tpu.memory_space<hbm>>
      tpu.enqueue_indirect_dma source(%dma_start3A_92 : memref<10000x128xbf16, #tpu.memory_space<hbm>>) target(%arg9 : memref<400x128xbf16, #tpu.memory_space<vmem>>) offsets(%dma_start3A_89 : memref<400xi32, #tpu.memory_space<vmem>>) semaphore(%arg12 : memref<!tpu.dma_semaphore, #tpu.memory_space<semaphore_mem>>)
      %dma_wait3A_93 = tpu.memref_slice %arg6[%add3A_82] : memref<10000xi32, #tpu.memory_space<vmem>> -> memref<400xi32, #tpu.memory_space<vmem>>
      %dma_wait3A_94 = arith.constant 0 : i32
      %dma_wait3A_95 = arith.constant 0 : i32
      %dma_wait3A_96 = tpu.memref_slice %arg2[%dma_wait3A_94, %dma_wait3A_95] : memref<10000x128xbf16, #tpu.memory_space<hbm>> -> memref<10000x128xbf16, #tpu.memory_space<hbm>>
      tpu.wait_indirect_dma semaphore(%arg11 : memref<!tpu.dma_semaphore, #tpu.memory_space<semaphore_mem>>) src(%dma_wait3A_96 : memref<10000x128xbf16, #tpu.memory_space<hbm>>) dst(%arg8 : memref<400x128xbf16, #tpu.memory_space<vmem>>)
      %add3A_97 = arith.constant 0 : i32
      %add3A_98 = arith.addi %mul3A_80, %add3A_97 : i32
      %dma_start3A_99 = tpu.memref_slice %arg7[%add3A_98] : memref<10000xi32, #tpu.memory_space<vmem>> -> memref<400xi32, #tpu.memory_space<vmem>>
      %dma_start3A_100 = arith.constant 0 : i32
      %dma_start3A_101 = arith.constant 0 : i32
      %dma_start3A_102 = tpu.memref_slice %arg10[%dma_start3A_100, %dma_start3A_101] : memref<10240x128xbf16, #tpu.memory_space<vmem_shared>> -> memref<10240x128xbf16, #tpu.memory_space<vmem_shared>>
      tpu.enqueue_indirect_dma source(%arg8 : memref<400x128xbf16, #tpu.memory_space<vmem>>) target(%dma_start3A_102 : memref<10240x128xbf16, #tpu.memory_space<vmem_shared>>) offsets(%dma_start3A_99 : memref<400xi32, #tpu.memory_space<vmem>>) semaphore(%arg13 : memref<!tpu.dma_semaphore, #tpu.memory_space<semaphore_mem>>) {add = true}
      %dma_wait3A_103 = tpu.memref_slice %arg6[%add3A_88] : memref<10000xi32, #tpu.memory_space<vmem>> -> memref<400xi32, #tpu.memory_space<vmem>>
      %dma_wait3A_104 = arith.constant 0 : i32
      %dma_wait3A_105 = arith.constant 0 : i32
      %dma_wait3A_106 = tpu.memref_slice %arg2[%dma_wait3A_104, %dma_wait3A_105] : memref<10000x128xbf16, #tpu.memory_space<hbm>> -> memref<10000x128xbf16, #tpu.memory_space<hbm>>
      tpu.wait_indirect_dma semaphore(%arg12 : memref<!tpu.dma_semaphore, #tpu.memory_space<semaphore_mem>>) src(%dma_wait3A_106 : memref<10000x128xbf16, #tpu.memory_space<hbm>>) dst(%arg9 : memref<400x128xbf16, #tpu.memory_space<vmem>>)
      %add3A_107 = arith.constant 400 : i32
      %add3A_108 = arith.addi %mul3A_80, %add3A_107 : i32
      %dma_start3A_109 = tpu.memref_slice %arg7[%add3A_108] : memref<10000xi32, #tpu.memory_space<vmem>> -> memref<400xi32, #tpu.memory_space<vmem>>
      %dma_start3A_110 = arith.constant 0 : i32
      %dma_start3A_111 = arith.constant 0 : i32
      %dma_start3A_112 = tpu.memref_slice %arg10[%dma_start3A_110, %dma_start3A_111] : memref<10240x128xbf16, #tpu.memory_space<vmem_shared>> -> memref<10240x128xbf16, #tpu.memory_space<vmem_shared>>
      tpu.enqueue_indirect_dma source(%arg9 : memref<400x128xbf16, #tpu.memory_space<vmem>>) target(%dma_start3A_112 : memref<10240x128xbf16, #tpu.memory_space<vmem_shared>>) offsets(%dma_start3A_109 : memref<400xi32, #tpu.memory_space<vmem>>) semaphore(%arg14 : memref<!tpu.dma_semaphore, #tpu.memory_space<semaphore_mem>>) {add = true}
      %dma_wait3A_113 = tpu.memref_slice %arg7[%add3A_98] : memref<10000xi32, #tpu.memory_space<vmem>> -> memref<400xi32, #tpu.memory_space<vmem>>
      %dma_wait3A_114 = arith.constant 0 : i32
      %dma_wait3A_115 = arith.constant 0 : i32
      %dma_wait3A_116 = tpu.memref_slice %arg10[%dma_wait3A_114, %dma_wait3A_115] : memref<10240x128xbf16, #tpu.memory_space<vmem_shared>> -> memref<10240x128xbf16, #tpu.memory_space<vmem_shared>>
      tpu.wait_indirect_dma semaphore(%arg13 : memref<!tpu.dma_semaphore, #tpu.memory_space<semaphore_mem>>) src(%arg8 : memref<400x128xbf16, #tpu.memory_space<vmem>>) dst(%dma_wait3A_116 : memref<10240x128xbf16, #tpu.memory_space<vmem_shared>>)
      %dma_wait3A_117 = tpu.memref_slice %arg7[%add3A_108] : memref<10000xi32, #tpu.memory_space<vmem>> -> memref<400xi32, #tpu.memory_space<vmem>>
      %dma_wait3A_118 = arith.constant 0 : i32
      %dma_wait3A_119 = arith.constant 0 : i32
      %dma_wait3A_120 = tpu.memref_slice %arg10[%dma_wait3A_118, %dma_wait3A_119] : memref<10240x128xbf16, #tpu.memory_space<vmem_shared>> -> memref<10240x128xbf16, #tpu.memory_space<vmem_shared>>
      tpu.wait_indirect_dma semaphore(%arg14 : memref<!tpu.dma_semaphore, #tpu.memory_space<semaphore_mem>>) src(%arg9 : memref<400x128xbf16, #tpu.memory_space<vmem>>) dst(%dma_wait3A_120 : memref<10240x128xbf16, #tpu.memory_space<vmem_shared>>)
    }
    %scan3A_36 = arith.constant 12 : i32
    %dma_start3A = arith.constant 9600 : i32
    %dma_start3A_37 = tpu.memref_slice %arg6[%dma_start3A] : memref<10000xi32, #tpu.memory_space<vmem>> -> memref<400xi32, #tpu.memory_space<vmem>>
    %dma_start3A_38 = arith.constant 0 : i32
    %dma_start3A_39 = arith.constant 0 : i32
    %dma_start3A_40 = tpu.memref_slice %arg2[%dma_start3A_38, %dma_start3A_39] : memref<10000x128xbf16, #tpu.memory_space<hbm>> -> memref<10000x128xbf16, #tpu.memory_space<hbm>>
    tpu.enqueue_indirect_dma source(%dma_start3A_40 : memref<10000x128xbf16, #tpu.memory_space<hbm>>) target(%arg8 : memref<400x128xbf16, #tpu.memory_space<vmem>>) offsets(%dma_start3A_37 : memref<400xi32, #tpu.memory_space<vmem>>) semaphore(%arg11 : memref<!tpu.dma_semaphore, #tpu.memory_space<semaphore_mem>>)
    %dma_wait3A = arith.constant 9600 : i32
    %dma_wait3A_41 = tpu.memref_slice %arg6[%dma_wait3A] : memref<10000xi32, #tpu.memory_space<vmem>> -> memref<400xi32, #tpu.memory_space<vmem>>
    %dma_wait3A_42 = arith.constant 0 : i32
    %dma_wait3A_43 = arith.constant 0 : i32
    %dma_wait3A_44 = tpu.memref_slice %arg2[%dma_wait3A_42, %dma_wait3A_43] : memref<10000x128xbf16, #tpu.memory_space<hbm>> -> memref<10000x128xbf16, #tpu.memory_space<hbm>>
    tpu.wait_indirect_dma semaphore(%arg11 : memref<!tpu.dma_semaphore, #tpu.memory_space<semaphore_mem>>) src(%dma_wait3A_44 : memref<10000x128xbf16, #tpu.memory_space<hbm>>) dst(%arg8 : memref<400x128xbf16, #tpu.memory_space<vmem>>)
    %dma_start3A_45 = arith.constant 9600 : i32
    %dma_start3A_46 = tpu.memref_slice %arg7[%dma_start3A_45] : memref<10000xi32, #tpu.memory_space<vmem>> -> memref<400xi32, #tpu.memory_space<vmem>>
    %dma_start3A_47 = arith.constant 0 : i32
    %dma_start3A_48 = arith.constant 0 : i32
    %dma_start3A_49 = tpu.memref_slice %arg10[%dma_start3A_47, %dma_start3A_48] : memref<10240x128xbf16, #tpu.memory_space<vmem_shared>> -> memref<10240x128xbf16, #tpu.memory_space<vmem_shared>>
    tpu.enqueue_indirect_dma source(%arg8 : memref<400x128xbf16, #tpu.memory_space<vmem>>) target(%dma_start3A_49 : memref<10240x128xbf16, #tpu.memory_space<vmem_shared>>) offsets(%dma_start3A_46 : memref<400xi32, #tpu.memory_space<vmem>>) semaphore(%arg13 : memref<!tpu.dma_semaphore, #tpu.memory_space<semaphore_mem>>) {add = true}
    %dma_wait3A_50 = arith.constant 9600 : i32
    %dma_wait3A_51 = tpu.memref_slice %arg7[%dma_wait3A_50] : memref<10000xi32, #tpu.memory_space<vmem>> -> memref<400xi32, #tpu.memory_space<vmem>>
    %dma_wait3A_52 = arith.constant 0 : i32
    %dma_wait3A_53 = arith.constant 0 : i32
    %dma_wait3A_54 = tpu.memref_slice %arg10[%dma_wait3A_52, %dma_wait3A_53] : memref<10240x128xbf16, #tpu.memory_space<vmem_shared>> -> memref<10240x128xbf16, #tpu.memory_space<vmem_shared>>
    tpu.wait_indirect_dma semaphore(%arg13 : memref<!tpu.dma_semaphore, #tpu.memory_space<semaphore_mem>>) src(%arg8 : memref<400x128xbf16, #tpu.memory_space<vmem>>) dst(%dma_wait3A_54 : memref<10240x128xbf16, #tpu.memory_space<vmem_shared>>)
    %barrier3A_55 = arith.constant 0 : index
    tpu.barrier barrier_id(%barrier3A_55)
    %mul3A_56 = arith.constant 640 : i32
    %mul3A_57 = arith.muli %arg1, %mul3A_56 : i32
    %add3A_58 = arith.constant 0 : i32
    %add3A_59 = arith.addi %mul3A_57, %add3A_58 : i32
    "tpu.region"() ({
      %run_scoped3A = tpu.sem_alloc : memref<!tpu.dma_semaphore, #tpu.memory_space<semaphore_mem>>
      %dma_start3A_76 = arith.constant 0 : i32
      %dma_start3A_77 = tpu.memref_slice %arg5[%arg0, %add3A_59, %dma_start3A_76] : memref<2x10240x128xbf16, #tpu.memory_space<hbm>> -> memref<1x128x128xbf16, #tpu.memory_space<hbm>>
      %dma_start3A_78 = tpu.memref_squeeze %dma_start3A_77 : memref<1x128x128xbf16, #tpu.memory_space<hbm>> -> memref<128x128xbf16, #tpu.memory_space<hbm>>
      %dma_start3A_79 = arith.constant 0 : i32
      %dma_start3A_80 = tpu.memref_slice %arg10[%add3A_59, %dma_start3A_79] : memref<10240x128xbf16, #tpu.memory_space<vmem_shared>> -> memref<128x128xbf16, #tpu.memory_space<vmem_shared>>
      tpu.enqueue_dma source(%dma_start3A_80 : memref<128x128xbf16, #tpu.memory_space<vmem_shared>>) target(%dma_start3A_78 : memref<128x128xbf16, #tpu.memory_space<hbm>>) target_semaphore(%run_scoped3A : memref<!tpu.dma_semaphore, #tpu.memory_space<semaphore_mem>>)
      %dma_wait3A_81 = arith.constant 0 : i32
      %dma_wait3A_82 = tpu.memref_slice %arg5[%arg0, %add3A_59, %dma_wait3A_81] : memref<2x10240x128xbf16, #tpu.memory_space<hbm>> -> memref<1x128x128xbf16, #tpu.memory_space<hbm>>
      %dma_wait3A_83 = tpu.memref_squeeze %dma_wait3A_82 : memref<1x128x128xbf16, #tpu.memory_space<hbm>> -> memref<128x128xbf16, #tpu.memory_space<hbm>>
      %dma_wait3A_84 = arith.constant 0 : i32
      %dma_wait3A_85 = tpu.memref_slice %arg10[%add3A_59, %dma_wait3A_84] : memref<10240x128xbf16, #tpu.memory_space<vmem_shared>> -> memref<128x128xbf16, #tpu.memory_space<vmem_shared>>
      tpu.wait_dma2 semaphore(%run_scoped3A : memref<!tpu.dma_semaphore, #tpu.memory_space<semaphore_mem>>) src(%dma_wait3A_85 : memref<128x128xbf16, #tpu.memory_space<vmem_shared>>) dst(%dma_wait3A_83 : memref<128x128xbf16, #tpu.memory_space<hbm>>)
      tpu.yield
    }) : () -> ()
    %mul3A_60 = arith.constant 640 : i32
    %mul3A_61 = arith.muli %arg1, %mul3A_60 : i32
    %add3A_62 = arith.constant 128 : i32
    %add3A_63 = arith.addi %mul3A_61, %add3A_62 : i32
    "tpu.region"() ({
      %run_scoped3A = tpu.sem_alloc : memref<!tpu.dma_semaphore, #tpu.memory_space<semaphore_mem>>
      %dma_start3A_76 = arith.constant 0 : i32
      %dma_start3A_77 = tpu.memref_slice %arg5[%arg0, %add3A_63, %dma_start3A_76] : memref<2x10240x128xbf16, #tpu.memory_space<hbm>> -> memref<1x128x128xbf16, #tpu.memory_space<hbm>>
      %dma_start3A_78 = tpu.memref_squeeze %dma_start3A_77 : memref<1x128x128xbf16, #tpu.memory_space<hbm>> -> memref<128x128xbf16, #tpu.memory_space<hbm>>
      %dma_start3A_79 = arith.constant 0 : i32
      %dma_start3A_80 = tpu.memref_slice %arg10[%add3A_63, %dma_start3A_79] : memref<10240x128xbf16, #tpu.memory_space<vmem_shared>> -> memref<128x128xbf16, #tpu.memory_space<vmem_shared>>
      tpu.enqueue_dma source(%dma_start3A_80 : memref<128x128xbf16, #tpu.memory_space<vmem_shared>>) target(%dma_start3A_78 : memref<128x128xbf16, #tpu.memory_space<hbm>>) target_semaphore(%run_scoped3A : memref<!tpu.dma_semaphore, #tpu.memory_space<semaphore_mem>>)
      %dma_wait3A_81 = arith.constant 0 : i32
      %dma_wait3A_82 = tpu.memref_slice %arg5[%arg0, %add3A_63, %dma_wait3A_81] : memref<2x10240x128xbf16, #tpu.memory_space<hbm>> -> memref<1x128x128xbf16, #tpu.memory_space<hbm>>
      %dma_wait3A_83 = tpu.memref_squeeze %dma_wait3A_82 : memref<1x128x128xbf16, #tpu.memory_space<hbm>> -> memref<128x128xbf16, #tpu.memory_space<hbm>>
      %dma_wait3A_84 = arith.constant 0 : i32
      %dma_wait3A_85 = tpu.memref_slice %arg10[%add3A_63, %dma_wait3A_84] : memref<10240x128xbf16, #tpu.memory_space<vmem_shared>> -> memref<128x128xbf16, #tpu.memory_space<vmem_shared>>
      tpu.wait_dma2 semaphore(%run_scoped3A : memref<!tpu.dma_semaphore, #tpu.memory_space<semaphore_mem>>) src(%dma_wait3A_85 : memref<128x128xbf16, #tpu.memory_space<vmem_shared>>) dst(%dma_wait3A_83 : memref<128x128xbf16, #tpu.memory_space<hbm>>)
      tpu.yield
    }) : () -> ()
    %mul3A_64 = arith.constant 640 : i32
    %mul3A_65 = arith.muli %arg1, %mul3A_64 : i32
    %add3A_66 = arith.constant 256 : i32
    %add3A_67 = arith.addi %mul3A_65, %add3A_66 : i32
    "tpu.region"() ({
      %run_scoped3A = tpu.sem_alloc : memref<!tpu.dma_semaphore, #tpu.memory_space<semaphore_mem>>
      %dma_start3A_76 = arith.constant 0 : i32
      %dma_start3A_77 = tpu.memref_slice %arg5[%arg0, %add3A_67, %dma_start3A_76] : memref<2x10240x128xbf16, #tpu.memory_space<hbm>> -> memref<1x128x128xbf16, #tpu.memory_space<hbm>>
      %dma_start3A_78 = tpu.memref_squeeze %dma_start3A_77 : memref<1x128x128xbf16, #tpu.memory_space<hbm>> -> memref<128x128xbf16, #tpu.memory_space<hbm>>
      %dma_start3A_79 = arith.constant 0 : i32
      %dma_start3A_80 = tpu.memref_slice %arg10[%add3A_67, %dma_start3A_79] : memref<10240x128xbf16, #tpu.memory_space<vmem_shared>> -> memref<128x128xbf16, #tpu.memory_space<vmem_shared>>
      tpu.enqueue_dma source(%dma_start3A_80 : memref<128x128xbf16, #tpu.memory_space<vmem_shared>>) target(%dma_start3A_78 : memref<128x128xbf16, #tpu.memory_space<hbm>>) target_semaphore(%run_scoped3A : memref<!tpu.dma_semaphore, #tpu.memory_space<semaphore_mem>>)
      %dma_wait3A_81 = arith.constant 0 : i32
      %dma_wait3A_82 = tpu.memref_slice %arg5[%arg0, %add3A_67, %dma_wait3A_81] : memref<2x10240x128xbf16, #tpu.memory_space<hbm>> -> memref<1x128x128xbf16, #tpu.memory_space<hbm>>
      %dma_wait3A_83 = tpu.memref_squeeze %dma_wait3A_82 : memref<1x128x128xbf16, #tpu.memory_space<hbm>> -> memref<128x128xbf16, #tpu.memory_space<hbm>>
      %dma_wait3A_84 = arith.constant 0 : i32
      %dma_wait3A_85 = tpu.memref_slice %arg10[%add3A_67, %dma_wait3A_84] : memref<10240x128xbf16, #tpu.memory_space<vmem_shared>> -> memref<128x128xbf16, #tpu.memory_space<vmem_shared>>
      tpu.wait_dma2 semaphore(%run_scoped3A : memref<!tpu.dma_semaphore, #tpu.memory_space<semaphore_mem>>) src(%dma_wait3A_85 : memref<128x128xbf16, #tpu.memory_space<vmem_shared>>) dst(%dma_wait3A_83 : memref<128x128xbf16, #tpu.memory_space<hbm>>)
      tpu.yield
    }) : () -> ()
    %mul3A_68 = arith.constant 640 : i32
    %mul3A_69 = arith.muli %arg1, %mul3A_68 : i32
    %add3A_70 = arith.constant 384 : i32
    %add3A_71 = arith.addi %mul3A_69, %add3A_70 : i32
    "tpu.region"() ({
      %run_scoped3A = tpu.sem_alloc : memref<!tpu.dma_semaphore, #tpu.memory_space<semaphore_mem>>
      %dma_start3A_76 = arith.constant 0 : i32
      %dma_start3A_77 = tpu.memref_slice %arg5[%arg0, %add3A_71, %dma_start3A_76] : memref<2x10240x128xbf16, #tpu.memory_space<hbm>> -> memref<1x128x128xbf16, #tpu.memory_space<hbm>>
      %dma_start3A_78 = tpu.memref_squeeze %dma_start3A_77 : memref<1x128x128xbf16, #tpu.memory_space<hbm>> -> memref<128x128xbf16, #tpu.memory_space<hbm>>
      %dma_start3A_79 = arith.constant 0 : i32
      %dma_start3A_80 = tpu.memref_slice %arg10[%add3A_71, %dma_start3A_79] : memref<10240x128xbf16, #tpu.memory_space<vmem_shared>> -> memref<128x128xbf16, #tpu.memory_space<vmem_shared>>
      tpu.enqueue_dma source(%dma_start3A_80 : memref<128x128xbf16, #tpu.memory_space<vmem_shared>>) target(%dma_start3A_78 : memref<128x128xbf16, #tpu.memory_space<hbm>>) target_semaphore(%run_scoped3A : memref<!tpu.dma_semaphore, #tpu.memory_space<semaphore_mem>>)
      %dma_wait3A_81 = arith.constant 0 : i32
      %dma_wait3A_82 = tpu.memref_slice %arg5[%arg0, %add3A_71, %dma_wait3A_81] : memref<2x10240x128xbf16, #tpu.memory_space<hbm>> -> memref<1x128x128xbf16, #tpu.memory_space<hbm>>
      %dma_wait3A_83 = tpu.memref_squeeze %dma_wait3A_82 : memref<1x128x128xbf16, #tpu.memory_space<hbm>> -> memref<128x128xbf16, #tpu.memory_space<hbm>>
      %dma_wait3A_84 = arith.constant 0 : i32
      %dma_wait3A_85 = tpu.memref_slice %arg10[%add3A_71, %dma_wait3A_84] : memref<10240x128xbf16, #tpu.memory_space<vmem_shared>> -> memref<128x128xbf16, #tpu.memory_space<vmem_shared>>
      tpu.wait_dma2 semaphore(%run_scoped3A : memref<!tpu.dma_semaphore, #tpu.memory_space<semaphore_mem>>) src(%dma_wait3A_85 : memref<128x128xbf16, #tpu.memory_space<vmem_shared>>) dst(%dma_wait3A_83 : memref<128x128xbf16, #tpu.memory_space<hbm>>)
      tpu.yield
    }) : () -> ()
    %mul3A_72 = arith.constant 640 : i32
    %mul3A_73 = arith.muli %arg1, %mul3A_72 : i32
    %add3A_74 = arith.constant 512 : i32
    %add3A_75 = arith.addi %mul3A_73, %add3A_74 : i32
    "tpu.region"() ({
      %run_scoped3A = tpu.sem_alloc : memref<!tpu.dma_semaphore, #tpu.memory_space<semaphore_mem>>
      %dma_start3A_76 = arith.constant 0 : i32
      %dma_start3A_77 = tpu.memref_slice %arg5[%arg0, %add3A_75, %dma_start3A_76] : memref<2x10240x128xbf16, #tpu.memory_space<hbm>> -> memref<1x128x128xbf16, #tpu.memory_space<hbm>>
      %dma_start3A_78 = tpu.memref_squeeze %dma_start3A_77 : memref<1x128x128xbf16, #tpu.memory_space<hbm>> -> memref<128x128xbf16, #tpu.memory_space<hbm>>
      %dma_start3A_79 = arith.constant 0 : i32
      %dma_start3A_80 = tpu.memref_slice %arg10[%add3A_75, %dma_start3A_79] : memref<10240x128xbf16, #tpu.memory_space<vmem_shared>> -> memref<128x128xbf16, #tpu.memory_space<vmem_shared>>
      tpu.enqueue_dma source(%dma_start3A_80 : memref<128x128xbf16, #tpu.memory_space<vmem_shared>>) target(%dma_start3A_78 : memref<128x128xbf16, #tpu.memory_space<hbm>>) target_semaphore(%run_scoped3A : memref<!tpu.dma_semaphore, #tpu.memory_space<semaphore_mem>>)
      %dma_wait3A_81 = arith.constant 0 : i32
      %dma_wait3A_82 = tpu.memref_slice %arg5[%arg0, %add3A_75, %dma_wait3A_81] : memref<2x10240x128xbf16, #tpu.memory_space<hbm>> -> memref<1x128x128xbf16, #tpu.memory_space<hbm>>
      %dma_wait3A_83 = tpu.memref_squeeze %dma_wait3A_82 : memref<1x128x128xbf16, #tpu.memory_space<hbm>> -> memref<128x128xbf16, #tpu.memory_space<hbm>>
      %dma_wait3A_84 = arith.constant 0 : i32
      %dma_wait3A_85 = tpu.memref_slice %arg10[%add3A_75, %dma_wait3A_84] : memref<10240x128xbf16, #tpu.memory_space<vmem_shared>> -> memref<128x128xbf16, #tpu.memory_space<vmem_shared>>
      tpu.wait_dma2 semaphore(%run_scoped3A : memref<!tpu.dma_semaphore, #tpu.memory_space<semaphore_mem>>) src(%dma_wait3A_85 : memref<128x128xbf16, #tpu.memory_space<vmem_shared>>) dst(%dma_wait3A_83 : memref<128x128xbf16, #tpu.memory_space<hbm>>)
      tpu.yield
    }) : () -> ()
    return
  }
}

module attributes {stable_mosaic.version = 14 : i64} {
  func.func @_tc_body(%arg0: i32, %arg1: memref<2x2000x128xbf16, #tpu.memory_space<vmem>>, %arg2: memref<128x128xf32, #tpu.memory_space<vmem>>, %arg3: memref<1x128xf32, #tpu.memory_space<vmem>>, %arg4: memref<2000x128xf32, #tpu.memory_space<vmem>>) attributes {dimension_semantics = [#tpu.dimension_semantics<arbitrary>], iteration_bounds = array<i64: 5>, scalar_prefetch = 0 : i64, scratch_operands = 0 : i64, tpu.core_type = #tpu.core_type<tc>, window_params = [{transform_indices = @transform_0, window_bounds = array<i64: 2, 2000, 128>}, {pipeline_mode = #tpu.pipeline_mode<synchronous>, transform_indices = @transform_1, window_bounds = array<i64: 128, 128>}, {pipeline_mode = #tpu.pipeline_mode<synchronous>, transform_indices = @transform_2, window_bounds = array<i64: 1, 128>}, {transform_indices = @transform_3, window_bounds = array<i64: 2000, 128>}]} {
    %get3A = arith.constant 0 : index
    %get3A_0 = arith.constant 0 : index
    %get3A_1 = arith.constant 0 : index
    %get3A_2 = vector.load %arg1[%get3A, %get3A_0, %get3A_1] : memref<2x2000x128xbf16, #tpu.memory_space<vmem>>, vector<1x2000x128xbf16>
    %get3A_3 = vector.shape_cast %get3A_2 : vector<1x2000x128xbf16> to vector<2000x128xbf16>
    %convert_element_type3A = arith.extf %get3A_3 : vector<2000x128xbf16> to vector<2000x128xf32>
    %get3A_4 = arith.constant 1 : index
    %get3A_5 = arith.constant 0 : index
    %get3A_6 = arith.constant 0 : index
    %get3A_7 = vector.load %arg1[%get3A_4, %get3A_5, %get3A_6] : memref<2x2000x128xbf16, #tpu.memory_space<vmem>>, vector<1x2000x128xbf16>
    %get3A_8 = vector.shape_cast %get3A_7 : vector<1x2000x128xbf16> to vector<2000x128xbf16>
    %convert_element_type3A_9 = arith.extf %get3A_8 : vector<2000x128xbf16> to vector<2000x128xf32>
    %add3A = arith.addf %convert_element_type3A, %convert_element_type3A_9 : vector<2000x128xf32>
    %get3A_10 = arith.constant 0 : index
    %get3A_11 = arith.constant 0 : index
    %get3A_12 = vector.load %arg2[%get3A_10, %get3A_11] : memref<128x128xf32, #tpu.memory_space<vmem>>, vector<128x128xf32>
    %dot_general3A = arith.constant dense<0.000000e+00> : vector<2000x128xf32>
    %dot_general3A_13 = tpu.matmul %add3A, %get3A_12, %dot_general3A {dimension_numbers = #tpu.dot_dimension_numbers<[1], [1], [0], [0], [0, 0, 1, 0], [], []>, transpose_lhs_hint = false} : vector<2000x128xf32>, vector<128x128xf32>, vector<2000x128xf32> -> vector<2000x128xf32>
    %get3A_14 = arith.constant 0 : index
    %get3A_15 = arith.constant 0 : index
    %get3A_16 = vector.load %arg3[%get3A_14, %get3A_15] : memref<1x128xf32, #tpu.memory_space<vmem>>, vector<1x128xf32>
    %add3A_17 = vector.broadcast %get3A_16 : vector<1x128xf32> to vector<2000x128xf32>
    %add3A_18 = arith.addf %dot_general3A_13, %add3A_17 : vector<2000x128xf32>
    %swap3A = arith.constant 0 : index
    %swap3A_19 = arith.constant 0 : index
    %swap3A_20 = vector.load %arg4[%swap3A, %swap3A_19] : memref<2000x128xf32, #tpu.memory_space<vmem>>, vector<2000x128xf32>
    tpu.vector_store %arg4[%swap3A, %swap3A_19], %add3A_18 {strides = array<i32>} : memref<2000x128xf32, #tpu.memory_space<vmem>>, vector<2000x128xf32>,
    return
  }
  func.func @transform_0(%arg0: i32) -> (i32, i32, i32) {
    %c0_i32 = arith.constant 0 : i32
    %c0_i32_0 = arith.constant 0 : i32
    %c0_i32_1 = arith.constant 0 : i32
    return %c0_i32, %arg0, %c0_i32_0 : i32, i32, i32
  }
  func.func @transform_1(%arg0: i32) -> (i32, i32) {
    %c0_i32 = arith.constant 0 : i32
    %c0_i32_0 = arith.constant 0 : i32
    %c0_i32_1 = arith.constant 0 : i32
    return %c0_i32, %c0_i32_0 : i32, i32
  }
  func.func @transform_2(%arg0: i32) -> (i32, i32) {
    %c0_i32 = arith.constant 0 : i32
    %c0_i32_0 = arith.constant 0 : i32
    %c0_i32_1 = arith.constant 0 : i32
    return %c0_i32, %c0_i32_0 : i32, i32
  }
  func.func @transform_3(%arg0: i32) -> (i32, i32) {
    %c0_i32 = arith.constant 0 : i32
    %c0_i32_0 = arith.constant 0 : i32
    return %arg0, %c0_i32 : i32, i32
  }
}

</mosaic_0001>

<sc_bundles>
// kernel: kernel.4.cloned.1.call-start
scs
__scs_entry_jumppad:
0x0: {  	(pc) =	sbr.rel $0x88, $3  }
0x1: {  	(tag) =	ssettag $0x0;
	lr =	simm.s32 $0x1  }
0x2: {  	[smem:$0x3F9D] =	sst lr;
	_ =	strace $0xD0000000  }
0x3: {  	_ = 	snop  }
0x4: {  	_ = 	snop  }
0x5: {  	_ = 	snop  }
0x6: {  	_ = 	snop  }
0x7: {  	_ = 	snop  }
__scs_overlays_trampoline_lowered:
0x8: {  	[smem:$0x3FAC] =	sst s0  }
0x9: {  	[smem:$0x3FAD] =	sst s1  }
0xa: {  	[smem:$0x3FAE] =	sst s2  }
0xb: {  	[smem:$0x3FAF] =	sst s3  }
0xc: {  	[smem:$0x3FB0] =	sst s4  }
0xd: {  	[smem:$0x3FB1] =	sst s5  }
0xe: {  	[smem:$0x3FB2] =	sst s6  }
0xf: {  	[smem:$0x3FB3] =	sst s7  }
0x10: {  	[smem:$0x3FB4] =	sst s8  }
0x11: {  	[smem:$0x3FB5] =	sst s9;
	s0 =	simm.s32 @!p0 $0x0  }
0x12: {  	s1 =	sld [smem:$0x3F9B];
	s0 =	simm.s32 @p0 $0x1  }
0x13: {  	[smem:$0x3FB6] =	sst s0;
	s0 =	simm.s32 @!p1 $0x0  }
0x14: {  	s2 =	sld [smem:$0x3F9A];
	s0 =	simm.s32 @p1 $0x1  }
0x15: {  	[smem:$0x3FB7] =	sst s0;
	s0 =	simm.s32 @!p2 $0x0  }
0x16: {  	s3 =	sld [smem:$0x3FDB];
	s0 =	simm.s32 @p2 $0x1  }
0x17: {  	s4 =	simm.s32 $0x1BF5;
	[smem:$0x3FB9] =	sst s0  }
0x18: {  	s0 =	sld [smem:$0x3F9C];
	_ =	swait.ge [sflag:s4], $0x0  }
0x19: {  	s7 =	sld [smem:$0x3F9D]  }
0x1a: {  	s8 =	sadd.s32 $0xFFFFE003, lr  }
0x1b: {  	s9 =	sadd.s32 $0xFFFFFEF7, lr;
	s5 =	simm.s32 $0xFFFFFFFF;
	p2 =	slt.u32 s8, $0xFFFFF086  }
0x1c: {  	p1 =	slt.u32 s9, $0xF7A;
	s5 =	simm.s32 @!p2 $0x0  }
0x1d: {  	s5 =	simm.s32 @p1 $0x1;
	p0 =	seq.s32 s7, s2  }
0x1e: {  	s7 =	smul.u32 @!p0 $0xF7A, s2;
	p2 =	seq.s32 @!p0 s5, $0x0  }
0x1f: {  	s9 =	smul.u32 $0xF7A, s1;
	s8 =	simm.s32 @!p0 $0x1BF5;
	p2 =	por !p2, p0  }
0x20: {  	[sflag:s8] =	ssyncset.s32 @!p0 $0xFFFFF086;
	s6 =	sadd.s32 @!p0 s3, s7;
	s7 =	simm.s32 @!p0 $0x108  }
0x21: {  	s3 =	sadd.s32 s3, s9;
	s6 =	sadd.s32 @!p0 $0x88, s6;
	s7 =	simm.s32 @p2 $0x1082  }
0x22: {  	[simem:s7], [sflag:s8] =	dma.local @!p0 [hbm:s6], $0xF7A  }
0x23: {  	s9 =	sor.u32 $0xD0000000, s2;
	s6 =	simm.s32 $0x108;
	_ =	swait.ge @!p0 [sflag:s8], $0x0  }
0x24: {  	s3 =	sadd.s32 $0x88, s3;
	s6 =	simm.s32 @!p1 $0x1082;
	[sflag:s4] =	ssyncset.s32 $0xFFFFF086  }
0x25: {  	[simem:s6], [sflag:s4] =	dma.local [hbm:s3], $0xF7A  }
0x26: {  	[smem:$0x3F9D] =	sst s1;
	(tag) =	ssettag s2;
	_ =	strace s9  }
0x27: {  	s1 =	sld [smem:$0x3FAD]  }
0x28: {  	s2 =	sld [smem:$0x3FAE]  }
0x29: {  	s4 =	sld [smem:$0x3FB0]  }
0x2a: {  	p0 =	seq.s32 s5, $0x0;
	s5 =	sld [smem:$0x3FB1]  }
0x2b: {  	s6 =	sld [smem:$0x3FB2]  }
0x2c: {  	s7 =	sld [smem:$0x3FB3]  }
0x2d: {  	s3 =	simm.s32 $0x108;
	s8 =	sld [smem:$0x3FB4]  }
0x2e: {  	s3 =	simm.s32 @!p0 $0x1082;
	s9 =	sld [smem:$0x3FB5]  }
0x2f: {  	lr =	sadd.s32 s0, s3;
	s0 =	sld [smem:$0x3FAC]  }
0x30: {  	s3 =	sld [smem:$0x3FAF]  }
0x31: {  	[smem:$0x3FB8] =	sst s10  }
0x32: {  	s10 =	sld [smem:$0x3FB6];
	_ =	sdelay $0x3  }
0x33: {  	p0 =	seq.s32 s10, $0x1;
	s10 =	sld [smem:$0x3FB8];
	_ =	sdelay $0x3  }
0x34: {  	[smem:$0x3FB8] =	sst s10  }
0x35: {  	s10 =	sld [smem:$0x3FB7];
	_ =	sdelay $0x3  }
0x36: {  	p1 =	seq.s32 s10, $0x1;
	s10 =	sld [smem:$0x3FB8];
	_ =	sdelay $0x3  }
0x37: {  	[smem:$0x3FB8] =	sst s10  }
0x38: {  	s10 =	sld [smem:$0x3FB9]  }
0x39: {  	_ = 	snop;
	(pc) =	sbr.ind lr, $3  }
0x3a: {  	_ = 	snop  }
0x3b: {  	_ = 	snop  }
0x3c: {  	p2 =	seq.s32 s10, $0x1;
	s10 =	sld [smem:$0x3FB8]  }
0x3d: {  	_ =	shalt  }
0x3e: {  	_ =	shalt  }
0x3f: {  	_ =	shalt  }
0x40: {  	_ =	shalt  }
0x41: {  	_ =	shalt  }
0x42: {  	_ =	shalt  }
0x43: {  	_ =	shalt  }
0x44: {  	_ =	shalt  }
0x45: {  	_ =	shalt  }
0x46: {  	_ =	shalt  }
0x47: {  	_ =	shalt  }
0x48: {  	_ =	shalt  }
0x49: {  	_ =	shalt  }
0x4a: {  	_ =	shalt  }
0x4b: {  	_ =	shalt  }
0x4c: {  	_ =	shalt  }
0x4d: {  	_ =	shalt  }
0x4e: {  	_ =	shalt  }
0x4f: {  	_ =	shalt  }
0x50: {  	_ =	shalt  }
0x51: {  	_ =	shalt  }
0x52: {  	_ =	shalt  }
0x53: {  	_ =	shalt  }
0x54: {  	_ =	shalt  }
0x55: {  	_ =	shalt  }
0x56: {  	_ =	shalt  }
0x57: {  	_ =	shalt  }
0x58: {  	_ =	shalt  }
0x59: {  	_ =	shalt  }
0x5a: {  	_ =	shalt  }
0x5b: {  	_ =	shalt  }
0x5c: {  	_ =	shalt  }
0x5d: {  	_ =	shalt  }
0x5e: {  	_ =	shalt  }
0x5f: {  	_ =	shalt  }
0x60: {  	_ =	shalt  }
0x61: {  	_ =	shalt  }
0x62: {  	_ =	shalt  }
0x63: {  	_ =	shalt  }
0x64: {  	_ =	shalt  }
0x65: {  	_ =	shalt  }
0x66: {  	_ =	shalt  }
0x67: {  	_ =	shalt  }
0x68: {  	_ =	shalt  }
0x69: {  	_ =	shalt  }
0x6a: {  	_ =	shalt  }
0x6b: {  	_ =	shalt  }
0x6c: {  	_ =	shalt  }
0x6d: {  	_ =	shalt  }
0x6e: {  	_ =	shalt  }
0x6f: {  	_ =	shalt  }
0x70: {  	_ =	shalt  }
0x71: {  	_ =	shalt  }
0x72: {  	_ =	shalt  }
0x73: {  	_ =	shalt  }
0x74: {  	_ =	shalt  }
0x75: {  	_ =	shalt  }
0x76: {  	_ =	shalt  }
0x77: {  	_ =	shalt  }
0x78: {  	_ =	shalt  }
0x79: {  	_ =	shalt  }
0x7a: {  	_ =	shalt  }
0x7b: {  	_ =	shalt  }
0x7c: {  	_ =	shalt  }
0x7d: {  	_ =	shalt  }
0x7e: {  	_ =	shalt  }
0x7f: {  	_ =	shalt  }
0x80: {  	_ =	shalt  }
0x81: {  	_ =	shalt  }
0x82: {  	_ =	shalt  }
0x83: {  	_ =	shalt  }
0x84: {  	_ =	shalt  }
0x85: {  	_ =	shalt  }
0x86: {  	_ =	shalt  }
0x87: {  	_ =	shalt  }
.Lfunc_end0:
.L_simem_size_0:
called_computation_lowered:
.L_overlay_start_0:
0x88: {  	s2 =	sld [smem:$0x3FD9]  }
0x89: {  	s3 =	sld [smem:$0x3FFE];
	_ =	sdelay $0x1  }
0x8a: {  	s1 =	srdreg.scid  }
0x8b: {  	s0 =	sand.u32 $0x1, s1  }
0x8c: {  	s17 =	sshll.u32 s0, $0xA;
	s2 =	sadd.s32 s3, s2  }
0x8d: {  	s2 =	sadd.s32 s2, s17  }
0x8e: {  	[smem:$0x3FC4] =	sst s2  }
0x8f: {  	_ = 	snop  }
0x90: {  	s2 =	sld [smem:$0x3FD0];
	(tm) =	ssettm $0x1  }
0x91: {  	s18 =	sld [smem:$0x3FFB];
	_ =	sdelay $0x3  }
0x92: {  	_ =	strace s18  }
0x93: {  	s3 =	sld [smem:$0x3FFC];
	_ =	sdelay $0x3  }
0x94: {  	_ =	strace s3  }
0x95: {  	s3 =	sld [smem:$0x3FFD];
	_ =	sdelay $0x3  }
0x96: {  	_ =	strace s3  }
0x97: {  	_ =	strace $0x8FFFFFFF  }
0x98: {  	s19 =	sld [smem:$0x3FDB];
	_ =	sdelay $0x1  }
0x99: {  	s4 =	simm.s32 $_scs_section_size  }
0x9a: {  	s5 =	simm.s32 $_size__tile_overlayer_lowered;
	s6 =	simm.s32 $_tile_overlayer_lowered  }
0x9b: {  	s22 =	simm.s32 $0x1BFF;
	s21 =	sshll.u32 s6, $0x1;
	s3 =	sadd.s32 s4, s19  }
0x9c: {  	s7 =	simm.s32 $0x0;
	s20 =	sshll.u32 s5, $0x1;
	s5 =	sadd.s32 s21, s3  }
0x9d: {  	[timem:s7], [sflag:s22] =	dma.local [hbm:s5], s20  }
0x9e: {  	_ =	swait.ge [sflag:s22], s20  }
0x9f: {  	s4 =	ssub.s32 $0x0, s20;
	[sflag:s22] =	ssyncset.done $0x0  }
0xa0: {  	[sflag:s22] =	ssyncadd.s32 s4;
	_ =	sdelay $0x1  }
0xa1: {  	s23 =	simm.s32 $0x1B8B  }
0xa2: {  	_ =	swait.ge [sflag:s23], $0x1  }
0xa3: {  	[sflag:s23] =	ssyncset.done $0x0  }
0xa4: {  	s25 =	simm.s32 $0x1B8E;
	s24 =	sld [smem:$0x3FFE];
	[sflag:s23] =	ssyncadd.s32 $0xFFFFFFFF  }
0xa5: {  	s26 =	simm.s32 $execute0_lowered;
	[smem:$0x3FD2] =	sst s25  }
0xa6: {  	s5 =	sshll.u32 s26, $0x1;
	_ =	strace $0x80000046;
	[dreg:$0x1] =	wrdreg $0xFFFFFFFF  }
0xa7: {  	s28 =	simm.s32 $_size_execute0_lowered;
	s3 =	sadd.s32 s3, s5;
	[dreg:$0x0] =	wrdreg $0x0  }
0xa8: {  	s5 =	sshll.u32 s28, $0x1;
	[dreg:$0x2] =	wrdreg s3  }
0xa9: {  	[dreg:$0x3] =	wrdreg s5  }
0xaa: {  	[dreg:$0x4] =	wrdreg $0xC0  }
0xab: {  	_ =	task [dreg:s7], $0x5FFFF  }
0xac: {  	[dreg:$0x1] =	wrdreg $0xFFFFFFFF  }
0xad: {  	[dreg:$0x0] =	wrdreg $0x60  }
0xae: {  	[dreg:$0x2] =	wrdreg s2  }
0xaf: {  	[dreg:$0x3] =	wrdreg s24  }
0xb0: {  	[dreg:$0x4] =	wrdreg $0x116200  }
0xb1: {  	[dreg:$0x5] =	wrdreg $0x9  }
0xb2: {  	_ =	task.clear_ibuf [dreg:s7], $0x6FFFF;
	_ =	strace $0x90000046  }
0xb3: {  	s29 =	simm.s32 $0x9;
	_ =	strace $0x80000048  }
0xb4: {  	_ =	swait.ge [sflag:s29], $0x1  }
0xb5: {  	[sflag:s29] =	ssyncadd.s32 $0xFFFFFFFF  }
0xb6: {  	_ =	strace $0x90000048  }
0xb7: {  	_ =	sfence  }
0xb8: {  	s30 =	sld [smem:$0x0];
	_ =	sdelay $0x2  }
0xb9: {  	s31 =	sshll.u32 s1, $0xD;
	s1 =	sshrl.u32 s1, $0x2  }
0xba: {  	s3 =	sand.u32 $0x4000, s31;
	s1 =	sadd.s32 s1, s30  }
0xbb: {  	s0 =	sor.u32 s3, s0;
	s1 =	sshll.u32 s1, $0x11  }
0xbc: {  	s0 =	sor.u32 s1, s0  }
0xbd: {  	s0 =	sadd.s32 $0x8F2B, s0  }
0xbe: {  	[sflag:s0] =	ssyncadd.remote.s32 $0x1  }
0xbf: {  	_ =	sfence.sel $0xFFFF  }
0xc0: {  	[dreg:$0x0] =	wrdreg $0xFFFFFFFF;
	(pc) =	sbr.abs _section_cstart, $3  }
0xc1: {  	[dreg:$0x1] =	wrdreg $0xFFFFFFFF  }
0xc2: {  	_ =	task.clear_ibuf [dreg:s7], $0x2FFFF;
	_ =	strace $0x9FFFFFFF  }
0xc3: {  	(tm) =	ssettm $0x7FFFFFFF  }
tec
execute0_lowered:
.L_overlay_start_1:
0x0: {  	(tag) =	ssettag $0x1  }
0x1: {  	s0 =	rddreg [dreg:$0x0]  }
0x2: {  	s1 =	srdreg.scid;
	s5 =	rddreg [dreg:$0x1]  }
0x3: {  	s3 =	rddreg [dreg:$0x2];
	s23 =	stileid.u32  }
0x4: {  	s4 =	simm.s32 $0x0;
	s21 =	simm.s32 $0x190;
	s22 =	simm.s32 $0xB220  }
0x5: {  	s28 =	simm.s32 $0x2580;
	s29 =	simm.s32 $0x4C90;
	s7 =	sand.u32 $0x1, s1  }
0x6: {  	[smem:$0x7FF] =	sst s4;
	s10 =	smul.u32 $0x14000, s23;
	s16 =	sadd.s32 $0x13E00, s5  }
0x7: {  	s6 =	sshll.u32 s7, $0x4;
	_ =	strace $0x80000047;
	s8 =	ssub.s32 $0x2, s7  }
0x8: {  	s19 =	smul.u32 $0x140000, s7;
	s6 =	sor.u32 s23, s6;
	s24 =	sshrl.u32 s8, $0x1  }
0x9: {  	s25 =	sshrl.u32 s10, $0x1;
	s12 =	sadd.s32 $0x4000, s10;
	s14 =	sadd.s32 $0x8000, s10  }
0xa: {  	s15 =	sadd.s32 $0xC000, s10;
	s18 =	sadd.s32 $0x10000, s10;
	s23 =	simm.s32 $0x1  }
0xb: {  	s6 =	smul.u32 $0x4E2, s6;
	s17 =	ssub.s32 s8, s24;
	s26 =	sshrl.u32 s12, $0x1  }
0xc: {  	s30 =	sshrl.u32 s14, $0x1;
	s9 =	sshrl.u32 s15, $0x1;
	s31 =	sshrl.u32 s18, $0x1  }
0xd: {  	s13 =	sadd.s32 s10, s19;
	s12 =	sadd.s32 s19, s12;
	s14 =	sadd.s32 s19, s14  }
0xe: {  	s15 =	sadd.s32 s19, s15;
	s18 =	sadd.s32 s19, s18;
	s19 =	simm.s32 $0x5  }
0xf: {  	s24 =	simm.s32 $0x2;
	s7 =	sadd.s32 s30, s3;
	s8 =	sadd.s32 s9, s3  }
0x10: {  	s9 =	sadd.s32 s31, s3;
	s13 =	sshrl.u32 s13, $0x4;
	s20 =	sshrl.u32 s12, $0x4  }
0x11: {  	s14 =	sshrl.u32 s14, $0x4;
	s15 =	sshrl.u32 s15, $0x4;
	s18 =	sshrl.u32 s18, $0x4  }
0x12: {  	s17 =	smax.u32 s17, $0x1;
	s11 =	sadd.s32 s6, s5;
	s5 =	sadd.s32 s25, s3  }
0x13: {  	s6 =	sadd.s32 s26, s3;
	s12 =	sadd.s32 s16, s13;
	s13 =	sadd.s32 s16, s20  }
0x14: {  	s14 =	sadd.s32 s16, s14;
	s15 =	sadd.s32 s16, s15;
	s16 =	sadd.s32 s16, s18  }
0x15: {  	s18 =	simm.s32 $0x4E20;
	s20 =	simm.s32 $0x2710;
	s25 =	simm.s32 $0x3  }
0x16: {  	v0 =	vimm.bf16 $0.0e+00;
	s26 =	simm.s32 $0x4;
	s10 =	sadd.s32 $0xA000, s11;
	s11 =	sadd.s32 $0x200, s11  }
.LBB2_1:
0x17: {  	s31 =	simm.s32 $0x100;
	s30 =	simm.s32 $0x0  }
.LBB2_2:
0x18: {  	p0 =	sne.s32 s31, $0x7F00;
	[tilespmem:s30+$0x4E50] =	vst v0;
	s1 =	smov.u32 s31;
	s31 =	sadd.s32 $0x100, s31  }
.Ltmp0:
0x19: {  	[tilespmem:s30+$0x4E40] =	vst v0;
	(pc) =	sbr.rel @p0 .LBB2_2-.Ltmp0, $3  }
0x1a: {  	[tilespmem:s30+$0x4E20] =	vst v0  }
0x1b: {  	[tilespmem:s30+$0x4E30] =	vst v0;
	_ =	sdelay $0x1  }
0x1c: {  	s30 =	sshra.s32 s1, $0x2  }
0x1d: {  	[tilespmem:s30+$0x4E50] =	vst v0  }
0x1e: {  	[tilespmem:s30+$0x4E40] =	vst v0  }
0x1f: {  	[tilespmem:s30+$0x4E20] =	vst v0  }
0x20: {  	[tilespmem:s30+$0x4E30] =	vst v0  }
0x21: {  	[spmem:s5] =	stream.linear.scatter [tilespmem:s18], [sflag:$0x5], $0x2000, $0x38;
	[tilespmem:$0x1B620] =	vst v63  }
0x22: {  	_ =	swait.ge [sflag:s19], $0x2000  }
0x23: {  	[sflag:s19] =	ssyncset.done $0x0  }
0x24: {  	[sflag:s19] =	ssyncadd.s32 $0xFFFFE000  }
0x25: {  	[spmem:s6] =	stream.linear.scatter [tilespmem:s18], [sflag:$0x5], $0x2000, $0x38;
	[tilespmem:$0x1B620] =	vst v63  }
0x26: {  	_ =	swait.ge [sflag:s19], $0x2000  }
0x27: {  	[sflag:s19] =	ssyncset.done $0x0  }
0x28: {  	[sflag:s19] =	ssyncadd.s32 $0xFFFFE000  }
0x29: {  	[spmem:s7] =	stream.linear.scatter [tilespmem:s18], [sflag:$0x5], $0x2000, $0x38;
	[tilespmem:$0x1B620] =	vst v63  }
0x2a: {  	_ =	swait.ge [sflag:s19], $0x2000  }
0x2b: {  	[sflag:s19] =	ssyncset.done $0x0  }
0x2c: {  	[sflag:s19] =	ssyncadd.s32 $0xFFFFE000  }
0x2d: {  	[spmem:s8] =	stream.linear.scatter [tilespmem:s18], [sflag:$0x5], $0x2000, $0x38;
	[tilespmem:$0x1B620] =	vst v63  }
0x2e: {  	_ =	swait.ge [sflag:s19], $0x2000  }
0x2f: {  	[sflag:s19] =	ssyncset.done $0x0  }
0x30: {  	[sflag:s19] =	ssyncadd.s32 $0xFFFFE000  }
0x31: {  	[spmem:s9] =	stream.linear.scatter [tilespmem:s18], [sflag:$0x5], $0x2000, $0x38;
	[tilespmem:$0x1B620] =	vst v63  }
0x32: {  	_ =	swait.ge [sflag:s19], $0x2000  }
0x33: {  	[sflag:s19] =	ssyncset.done $0x0  }
0x34: {  	s1 =	simm.s32 $0x0;
	[sflag:s19] =	ssyncadd.s32 $0xFFFFE000  }
0x35: {  	[tilespmem:s1], [sflag:$0x5] =	stream.linear.gather [hbm4b:s10+s1], $0x2710, $0x38;
	[tilespmem:$0x1B620] =	vst v63  }
0x36: {  	_ =	swait.ge [sflag:s19], $0x2710  }
0x37: {  	[sflag:s19] =	ssyncset.done $0x0  }
0x38: {  	[sflag:s19] =	ssyncadd.s32 $0xFFFFD8F0  }
0x39: {  	[tilespmem:s20], [sflag:$0x5] =	stream.linear.gather [hbm4b:s11+s1], $0x2710, $0x38;
	[tilespmem:$0x1B620] =	vst v63  }
0x3a: {  	_ =	swait.ge [sflag:s19], $0x2710  }
0x3b: {  	[sflag:s19] =	ssyncset.done $0x0  }
0x3c: {  	[sflag:s19] =	ssyncadd.s32 $0xFFFFD8F0  }
0x3d: {  	s2 =	simm.s32 $0x0;
	[bflag:$0x0] =	sbarrier.arrive $0xFFFF  }
0x3e: {  	[tilespmem:s18], [sflag:$0x1] =	stream.indirect.gather [hbm4b:s0+s21], $0x40, s2, s21, $0xb8;
	[tilespmem:$0x1B620] =	vst v63  }
0x3f: {  	s2 =	simm.s32 $0x190  }
0x40: {  	[tilespmem:s22], [sflag:$0x2] =	stream.indirect.gather [hbm4b:s0+s21], $0x40, s2, s21, $0xb8;
	[tilespmem:$0x1B620] =	vst v63  }
0x41: {  	_ =	swait.ge [sflag:s23], $0x6400  }
0x42: {  	[sflag:s23] =	ssyncset.done $0x0  }
0x43: {  	s2 =	simm.s32 $0x2710;
	[sflag:s23] =	ssyncadd.s32 $0xFFFF9C00  }
0x44: {  	[spmem:s3] =	stream.indirect.scatter.add.bf16 [tilespmem:s18], [sflag:$0x3], $0x40, s2, s21, $0xb8;
	[tilespmem:$0x1B620] =	vst v63  }
0x45: {  	_ =	swait.ge [sflag:s24], $0x6400  }
0x46: {  	[sflag:s24] =	ssyncset.done $0x0  }
0x47: {  	s2 =	simm.s32 $0x28A0;
	[sflag:s24] =	ssyncadd.s32 $0xFFFF9C00  }
0x48: {  	[spmem:s3] =	stream.indirect.scatter.add.bf16 [tilespmem:s22], [sflag:$0x4], $0x40, s2, s21, $0xb8;
	[tilespmem:$0x1B620] =	vst v63  }
0x49: {  	_ =	swait.ge [sflag:s25], $0x6400  }
0x4a: {  	[sflag:s25] =	ssyncset.done $0x0  }
0x4b: {  	[sflag:s25] =	ssyncadd.s32 $0xFFFF9C00  }
0x4c: {  	_ =	swait.ge [sflag:s26], $0x6400  }
0x4d: {  	s30 =	simm.s32 $0xC80;
	s31 =	simm.s32 $0x1900;
	[sflag:s26] =	ssyncset.done $0x0  }
.LBB2_4:
0x4e: {  	s1 =	sshra.s32 s30, $0x2  }
0x4f: {  	[sflag:s26] =	ssyncadd.s32 $0xFFFF9C00;
	s30 =	smov.u32 s31;
	s2 =	sadd.s32 $0xC80, s31  }
0x50: {  	[tilespmem:s18], [sflag:$0x1] =	stream.indirect.gather [hbm4b:s0+s21], $0x40, s1, s21, $0xb8;
	[tilespmem:$0x1B620] =	vst v63  }
0x51: {  	p0 =	sne.s32 s31, $0x8980;
	s31 =	sadd.s32 $0x190, s1  }
0x52: {  	[tilespmem:s22], [sflag:$0x2] =	stream.indirect.gather [hbm4b:s0+s21], $0x40, s31, s21, $0xb8;
	[tilespmem:$0x1B620] =	vst v63  }
0x53: {  	_ =	swait.ge [sflag:s23], $0x6400  }
0x54: {  	[sflag:s23] =	ssyncset.done $0x0  }
0x55: {  	s31 =	sadd.s32 $0x2710, s1;
	[sflag:s23] =	ssyncadd.s32 $0xFFFF9C00  }
0x56: {  	[spmem:s3] =	stream.indirect.scatter.add.bf16 [tilespmem:s18], [sflag:$0x3], $0x40, s31, s21, $0xb8;
	[tilespmem:$0x1B620] =	vst v63  }
0x57: {  	_ =	swait.ge [sflag:s24], $0x6400  }
0x58: {  	[sflag:s24] =	ssyncset.done $0x0  }
0x59: {  	s1 =	sadd.s32 $0x28A0, s1;
	[sflag:s24] =	ssyncadd.s32 $0xFFFF9C00  }
0x5a: {  	[spmem:s3] =	stream.indirect.scatter.add.bf16 [tilespmem:s22], [sflag:$0x4], $0x40, s1, s21, $0xb8;
	[tilespmem:$0x1B620] =	vst v63  }
.Ltmp1:
0x5b: {  	_ =	swait.ge [sflag:s25], $0x6400;
	(pc) =	sbr.rel @p0 .LBB2_4-.Ltmp1, $4  }
0x5c: {  	[sflag:s25] =	ssyncset.done $0x0  }
0x5d: {  	[sflag:s25] =	ssyncadd.s32 $0xFFFF9C00  }
0x5e: {  	_ =	swait.ge [sflag:s26], $0x6400  }
0x5f: {  	s31 =	smov.u32 s2;
	[sflag:s26] =	ssyncset.done $0x0  }
0x60: {  	s1 =	sshra.s32 s30, $0x2;
	[sflag:s26] =	ssyncadd.s32 $0xFFFF9C00  }
0x61: {  	[tilespmem:s18], [sflag:$0x1] =	stream.indirect.gather [hbm4b:s0+s21], $0x40, s1, s21, $0xb8;
	[tilespmem:$0x1B620] =	vst v63  }
0x62: {  	s2 =	sadd.s32 $0x190, s1  }
0x63: {  	[tilespmem:s22], [sflag:$0x2] =	stream.indirect.gather [hbm4b:s0+s21], $0x40, s2, s21, $0xb8;
	[tilespmem:$0x1B620] =	vst v63  }
0x64: {  	_ =	swait.ge [sflag:s23], $0x6400  }
0x65: {  	[sflag:s23] =	ssyncset.done $0x0  }
0x66: {  	s31 =	sadd.s32 $0x2710, s1;
	[sflag:s23] =	ssyncadd.s32 $0xFFFF9C00  }
0x67: {  	[spmem:s3] =	stream.indirect.scatter.add.bf16 [tilespmem:s18], [sflag:$0x3], $0x40, s31, s21, $0xb8;
	[tilespmem:$0x1B620] =	vst v63  }
0x68: {  	_ =	swait.ge [sflag:s24], $0x6400  }
0x69: {  	[sflag:s24] =	ssyncset.done $0x0  }
0x6a: {  	s1 =	sadd.s32 $0x28A0, s1;
	[sflag:s24] =	ssyncadd.s32 $0xFFFF9C00  }
0x6b: {  	[spmem:s3] =	stream.indirect.scatter.add.bf16 [tilespmem:s22], [sflag:$0x4], $0x40, s1, s21, $0xb8;
	[tilespmem:$0x1B620] =	vst v63  }
0x6c: {  	_ =	swait.ge [sflag:s25], $0x6400  }
0x6d: {  	[sflag:s25] =	ssyncset.done $0x0  }
0x6e: {  	[sflag:s25] =	ssyncadd.s32 $0xFFFF9C00  }
0x6f: {  	_ =	swait.ge [sflag:s26], $0x6400  }
0x70: {  	[sflag:s26] =	ssyncset.done $0x0  }
0x71: {  	[sflag:s26] =	ssyncadd.s32 $0xFFFF9C00  }
0x72: {  	[tilespmem:s18], [sflag:$0x1] =	stream.indirect.gather [hbm4b:s0+s21], $0x40, s28, s21, $0xb8;
	[tilespmem:$0x1B620] =	vst v63  }
0x73: {  	_ =	swait.ge [sflag:s23], $0x6400  }
0x74: {  	[sflag:s23] =	ssyncset.done $0x0  }
0x75: {  	[sflag:s23] =	ssyncadd.s32 $0xFFFF9C00  }
0x76: {  	[spmem:s3] =	stream.indirect.scatter.add.bf16 [tilespmem:s18], [sflag:$0x3], $0x40, s29, s21, $0xb8;
	[tilespmem:$0x1B620] =	vst v63  }
0x77: {  	_ =	swait.ge [sflag:s25], $0x6400  }
0x78: {  	s30 =	stileid.u32;
	[sflag:s25] =	ssyncset.done $0x0  }
0x79: {  	s1 =	sshll.u32 s30, $0x6;
	[sflag:s25] =	ssyncadd.s32 $0xFFFF9C00  }
0x7a: {  	s31 =	sshrl.u32 s5, $0x3;
	s1 =	sor.u32 $0x1C05, s1;
	[bflag:$0x0] =	sbarrier.arrive $0xFFFF  }
0x7b: {  	[hbm:s12], [sflag:s1] =	dma.local [spmem:s31], $0x400  }
0x7c: {  	_ =	swait.ge [sflag:s19], $0x400  }
0x7d: {  	[sflag:s19] =	ssyncset.done $0x0  }
0x7e: {  	s30 =	sshrl.u32 s6, $0x3;
	[sflag:s19] =	ssyncadd.s32 $0xFFFFFC00  }
0x7f: {  	[hbm:s13], [sflag:s1] =	dma.local [spmem:s30], $0x400  }
0x80: {  	_ =	swait.ge [sflag:s19], $0x400  }
0x81: {  	[sflag:s19] =	ssyncset.done $0x0  }
0x82: {  	s31 =	sshrl.u32 s7, $0x3;
	[sflag:s19] =	ssyncadd.s32 $0xFFFFFC00  }
0x83: {  	[hbm:s14], [sflag:s1] =	dma.local [spmem:s31], $0x400  }
0x84: {  	_ =	swait.ge [sflag:s19], $0x400  }
0x85: {  	[sflag:s19] =	ssyncset.done $0x0  }
0x86: {  	s30 =	sshrl.u32 s8, $0x3;
	[sflag:s19] =	ssyncadd.s32 $0xFFFFFC00  }
0x87: {  	[hbm:s15], [sflag:s1] =	dma.local [spmem:s30], $0x400  }
0x88: {  	s4 =	sadd.s32 $0x1, s4;
	_ =	swait.ge [sflag:s19], $0x400  }
0x89: {  	p0 =	sne.s32 s4, s17;
	[sflag:s19] =	ssyncset.done $0x0  }
.Ltmp2:
0x8a: {  	s31 =	sshrl.u32 s9, $0x3;
	[sflag:s19] =	ssyncadd.s32 $0xFFFFFC00;
	(pc) =	sbr.rel @p0 .LBB2_1-.Ltmp2, $4  }
0x8b: {  	[hbm:s16], [sflag:s1] =	dma.local [spmem:s31], $0x400  }
0x8c: {  	_ =	swait.ge [sflag:s19], $0x400  }
0x8d: {  	[sflag:s19] =	ssyncset.done $0x0  }
0x8e: {  	[sflag:s19] =	ssyncadd.s32 $0xFFFFFC00  }
0x8f: {  	_ =	sfence.sel $0x180000  }
0x90: {  	[bflag:$0x0] =	sbarrier.arrive $0xFFFF  }
0x91: {  	_ =	strace $0x90000047  }
0x92: {  	s0 =	stileid.u32;
	[bflag:$0x2] =	sbarrier.arrive $0xFFFF  }
0x93: {  	p0 =	sne.s32 s0, $0x0;
	s0 =	rddreg [dreg:$0x3]  }
0x94: {  	s0 =	sadd.s32 @!p0 $0x100000, s0  }
0x95: {  	[sflag:s0] =	ssyncadd.tile.s32 @!p0 $0x1;
	_ =	shalt  }
.Lfunc_end2:
_tile_overlayer_lowered:
.L_overlay_start_2:
0x96: {  	(tag) =	ssettag $0x2  }
0x97: {  	s0 =	rddreg [dreg:$0x0];
	s2 =	stileid.u32  }
0x98: {  	s1 =	rddreg [dreg:$0x1];
	p0 =	sne.s32 s2, $0x0  }
0x99: {  	s3 =	rddreg [dreg:$0x2];
	[bflag:$0x3] =	sbarrier.arrive $0xFFFF;
	s2 =	simm.s32 @!p0 $0x1C05  }
0x9a: {  	[timem:s3], [sflag:s2] =	dma.local @!p0 [hbm:s0], s1  }
0x9b: {  	s0 =	simm.s32 @!p0 $0x5  }
0x9c: {  	_ =	swait.ge @!p0 [sflag:s0], s1  }
0x9d: {  	s1 =	ssub.s32 @!p0 $0x0, s1;
	[sflag:s0] =	ssyncset.done @!p0 $0x0  }
0x9e: {  	[sflag:s0] =	ssyncadd.s32 @!p0 s1  }
0x9f: {  	[bflag:$0x3] =	sbarrier.arrive $0xFFFF  }
0xa0: {  	_ =	shalt  }

</sc_bundles>
